<compile_context>
chip_gen: v7x
topology: tpu7x:2x2x1
jax: 0.10.2.dev20260603
libtpu: 0.0.44.dev20260713+nightly
codegen_flags: <defaults>
</compile_context>

<pallas_src>
import functools

import jax
import jax.numpy as jnp
from jax import lax
from jax.experimental import pallas as pl
from jax.experimental.pallas import tpu as pltpu
from jax.experimental.pallas import tpu_sc as plsc


@functools.cache
def _make_gather(V, D, B):
    info = plsc.get_sparse_core_info()
    NC, NS, L = info.num_cores, info.num_subcores, info.num_lanes
    NW = NC * NS
    R = D // NW
    IC = 4096
    NCH = B // IC
    assert D % NW == 0 and B % IC == 0 and IC % L == 0
    mesh = plsc.VectorSubcoreMesh(core_axis_name="c", subcore_axis_name="s")

    @functools.partial(
        pl.kernel,
        mesh=mesh,
        compiler_params=pltpu.CompilerParams(
            needs_layout_passes=False, skip_device_barrier=True
        ),
        out_type=jax.ShapeDtypeStruct((D, B), jnp.float32),
        scratch_types=[
            pltpu.VMEM((V,), jnp.float32),
            pltpu.VMEM((B,), jnp.int32),
            pltpu.VMEM((2, IC), jnp.float32),
            pltpu.SemaphoreType.DMA,
            pltpu.SemaphoreType.DMA,
            pltpu.SemaphoreType.DMA,
        ],
    )
    def k(idx_hbm, tabT_hbm, outT_hbm, row_v, idx_v, out_v, s_idx, s_row, s_out):
        wid = lax.axis_index("s") * NC + lax.axis_index("c")
        idx_cp = pltpu.async_copy(idx_hbm, idx_v, s_idx)
        for r in range(R):
            row = wid * R + r
            row_cp = pltpu.async_copy(tabT_hbm.at[row], row_v, s_row)
            if r == 0:
                idx_cp.wait()
            row_cp.wait()
            for ch in range(NCH):
                step = r * NCH + ch
                buf = step % 2
                if step >= 2:
                    pltpu.make_async_copy(
                        out_v.at[buf], outT_hbm.at[row, pl.ds(0, IC)], s_out
                    ).wait()

                U = 8

                @pl.loop(0, IC // (L * U))
                def _gather(g, ch=ch, buf=buf):
                    ivs = [
                        idx_v[pl.ds(ch * IC + (g * U + j) * L, L)]
                        for j in range(U)
                    ]
                    vals = [plsc.load_gather(row_v, [iv]) for iv in ivs]
                    for j in range(U):
                        out_v[buf, pl.ds((g * U + j) * L, L)] = vals[j]

                pltpu.async_copy(
                    out_v.at[buf], outT_hbm.at[row, pl.ds(ch * IC, IC)], s_out
                )
        for buf in range(2):
            pltpu.make_async_copy(
                out_v.at[buf], outT_hbm.at[0, pl.ds(0, IC)], s_out
            ).wait()

    return k


def kernel(indices, table):
    (B,) = indices.shape
    V, D = table.shape
    outT = _make_gather(V, D, B)(indices.astype(jnp.int32), table.T)
    return outT.T

# --- scband reference (transcript-rebuilt; emitter-appended) ---
"""Pipeline reference for scband-concept-embedding-56934086476381 (READ-ONLY COPY).

The authoritative reference and input builder live on the scoring server;
editing this copy changes nothing except your own understanding.
"""

import jax, jax.numpy as jnp
import numpy as np

NUM_EMBEDDINGS = 100000
EMBED_DIM = 64
BATCH = 16384

def setup_inputs(seed: int = 0) -> dict:
    key = jax.random.key(seed)
    k_idx, k_tab = jax.random.split(key)
    indices = jax.random.randint(k_idx, (BATCH,), 0, NUM_EMBEDDINGS, dtype=jnp.int64 if jax.config.jax_enable_x64 else jnp.int32)
    table = jax.random.normal(k_tab, (NUM_EMBEDDINGS, EMBED_DIM), dtype=jnp.float32) * 0.02
    return {"indices": indices, "table": table}

def reference(indices, table):
    # Core of ConceptEmbedding.calculate_logits concept gathering:
    # concepts_used = self.concept_embedding(concept_program_indexes)
    # i.e. an nn.Embedding(n_concepts, embed_dim) row gather.
    concepts_used = jnp.take(table, indices, axis=0)
    return concepts_used

if __name__ == "__main__":
    import jax
    _d = setup_inputs()
    print(jax.jit(kernel)(*tuple(_d.values())))

</pallas_src>

<mosaic_0001>
#map = affine_map<(d0, d1) -> (0)>
#map1 = affine_map<(d0, d1) -> (0, 0)>
module attributes {stable_mosaic.version = 14 : i64} {
  func.func @k(%arg0: i32, %arg1: i32, %arg2: memref<16384xi32, #tpu.memory_space<hbm>>, %arg3: memref<64x100000xf32, #tpu.memory_space<hbm>>, %arg4: memref<64x16384xf32, #tpu.memory_space<hbm>>, %arg5: memref<100000xf32, #tpu.memory_space<vmem>>, %arg6: memref<16384xi32, #tpu.memory_space<vmem>>, %arg7: memref<2x4096xf32, #tpu.memory_space<vmem>>, %arg8: memref<!tpu.dma_semaphore, #tpu.memory_space<semaphore_mem>>, %arg9: memref<!tpu.dma_semaphore, #tpu.memory_space<semaphore_mem>>, %arg10: memref<!tpu.dma_semaphore, #tpu.memory_space<semaphore_mem>>) attributes {dimension_semantics = [#tpu.dimension_semantics<core_parallel>, #tpu.dimension_semantics<subcore_parallel>], iteration_bounds = array<i64: 2, 16>, scalar_prefetch = 0 : i64, scratch_operands = 6 : i64, tpu.core_type = #tpu.core_type<sc_vector_subcore>, window_params = [{transform_indices = #map}, {transform_indices = #map1}, {transform_indices = #map1}]} {
    %mul3A = arith.constant 2 : i32
    %mul3A_0 = arith.muli %arg1, %mul3A : i32
    %add3A = arith.addi %mul3A_0, %arg0 : i32
    tpu.enqueue_dma source(%arg2 : memref<16384xi32, #tpu.memory_space<hbm>>) target(%arg6 : memref<16384xi32, #tpu.memory_space<vmem>>) target_semaphore(%arg8 : memref<!tpu.dma_semaphore, #tpu.memory_space<semaphore_mem>>)
    %mul3A_1 = arith.constant 2 : i32
    %mul3A_2 = arith.muli %add3A, %mul3A_1 : i32
    %add3A_3 = arith.constant 0 : i32
    %add3A_4 = arith.addi %mul3A_2, %add3A_3 : i32
    %dma_start3A = arith.constant 0 : i32
    %dma_start3A_5 = tpu.memref_slice %arg3[%add3A_4, %dma_start3A] : memref<64x100000xf32, #tpu.memory_space<hbm>> -> memref<1x100000xf32, #tpu.memory_space<hbm>>
    %dma_start3A_6 = tpu.memref_squeeze %dma_start3A_5 : memref<1x100000xf32, #tpu.memory_space<hbm>> -> memref<100000xf32, #tpu.memory_space<hbm>>
    %dma_start3A_7 = arith.constant 0 : i32
    %dma_start3A_8 = tpu.memref_slice %arg3[%add3A_4, %dma_start3A_7] : memref<64x100000xf32, #tpu.memory_space<hbm>> -> memref<1x100000xf32, #tpu.memory_space<hbm>>
    %dma_start3A_9 = tpu.memref_squeeze %dma_start3A_8 : memref<1x100000xf32, #tpu.memory_space<hbm>> -> memref<100000xf32, #tpu.memory_space<hbm>>
    tpu.enqueue_dma source(%dma_start3A_9 : memref<100000xf32, #tpu.memory_space<hbm>>) target(%arg5 : memref<100000xf32, #tpu.memory_space<vmem>>) target_semaphore(%arg9 : memref<!tpu.dma_semaphore, #tpu.memory_space<semaphore_mem>>)
    tpu.wait_dma2 semaphore(%arg8 : memref<!tpu.dma_semaphore, #tpu.memory_space<semaphore_mem>>) src(%arg2 : memref<16384xi32, #tpu.memory_space<hbm>>) dst(%arg6 : memref<16384xi32, #tpu.memory_space<vmem>>)
    %dma_wait3A = arith.constant 0 : i32
    %dma_wait3A_10 = tpu.memref_slice %arg3[%add3A_4, %dma_wait3A] : memref<64x100000xf32, #tpu.memory_space<hbm>> -> memref<1x100000xf32, #tpu.memory_space<hbm>>
    %dma_wait3A_11 = tpu.memref_squeeze %dma_wait3A_10 : memref<1x100000xf32, #tpu.memory_space<hbm>> -> memref<100000xf32, #tpu.memory_space<hbm>>
    %dma_wait3A_12 = arith.constant 0 : i32
    %dma_wait3A_13 = tpu.memref_slice %arg3[%add3A_4, %dma_wait3A_12] : memref<64x100000xf32, #tpu.memory_space<hbm>> -> memref<1x100000xf32, #tpu.memory_space<hbm>>
    %dma_wait3A_14 = tpu.memref_squeeze %dma_wait3A_13 : memref<1x100000xf32, #tpu.memory_space<hbm>> -> memref<100000xf32, #tpu.memory_space<hbm>>
    tpu.wait_dma2 semaphore(%arg9 : memref<!tpu.dma_semaphore, #tpu.memory_space<semaphore_mem>>) src(%dma_wait3A_14 : memref<100000xf32, #tpu.memory_space<hbm>>) dst(%arg5 : memref<100000xf32, #tpu.memory_space<vmem>>)
    %scan3A = arith.constant 0 : i32
    %scan3A_15 = arith.constant 32 : i32
    %scan3A_16 = arith.addi %scan3A, %scan3A_15 : i32
    %scan3A_17 = arith.constant 1 : i32
    scf.for %scan3A_280 = %scan3A to %scan3A_16 step %scan3A_17  : i32 {
      %mul3A_281 = arith.constant 1 : i32
      %mul3A_282 = arith.muli %scan3A_280, %mul3A_281 : i32
      %add3A_283 = arith.constant 0 : i32
      %add3A_284 = arith.addi %add3A_283, %mul3A_282 : i32
      %mul3A_285 = arith.constant 8 : i32
      %mul3A_286 = arith.muli %add3A_284, %mul3A_285 : i32
      %add3A_287 = arith.constant 0 : i32
      %add3A_288 = arith.addi %mul3A_286, %add3A_287 : i32
      %mul3A_289 = arith.constant 16 : i32
      %mul3A_290 = arith.muli %add3A_288, %mul3A_289 : i32
      %add3A_291 = arith.constant 0 : i32
      %add3A_292 = arith.addi %add3A_291, %mul3A_290 : i32
      %get3A = arith.index_cast %add3A_292 : i32 to index
      %get3A_293 = tpu.vector_load %arg6[%get3A] {strides = array<i32>} : memref<16384xi32, #tpu.memory_space<vmem>>, vector<16xi32>,
      %mul3A_294 = arith.constant 8 : i32
      %mul3A_295 = arith.muli %add3A_284, %mul3A_294 : i32
      %add3A_296 = arith.constant 1 : i32
      %add3A_297 = arith.addi %mul3A_295, %add3A_296 : i32
      %mul3A_298 = arith.constant 16 : i32
      %mul3A_299 = arith.muli %add3A_297, %mul3A_298 : i32
      %add3A_300 = arith.constant 0 : i32
      %add3A_301 = arith.addi %add3A_300, %mul3A_299 : i32
      %get3A_302 = arith.index_cast %add3A_301 : i32 to index
      %get3A_303 = tpu.vector_load %arg6[%get3A_302] {strides = array<i32>} : memref<16384xi32, #tpu.memory_space<vmem>>, vector<16xi32>,
      %mul3A_304 = arith.constant 8 : i32
      %mul3A_305 = arith.muli %add3A_284, %mul3A_304 : i32
      %add3A_306 = arith.constant 2 : i32
      %add3A_307 = arith.addi %mul3A_305, %add3A_306 : i32
      %mul3A_308 = arith.constant 16 : i32
      %mul3A_309 = arith.muli %add3A_307, %mul3A_308 : i32
      %add3A_310 = arith.constant 0 : i32
      %add3A_311 = arith.addi %add3A_310, %mul3A_309 : i32
      %get3A_312 = arith.index_cast %add3A_311 : i32 to index
      %get3A_313 = tpu.vector_load %arg6[%get3A_312] {strides = array<i32>} : memref<16384xi32, #tpu.memory_space<vmem>>, vector<16xi32>,
      %mul3A_314 = arith.constant 8 : i32
      %mul3A_315 = arith.muli %add3A_284, %mul3A_314 : i32
      %add3A_316 = arith.constant 3 : i32
      %add3A_317 = arith.addi %mul3A_315, %add3A_316 : i32
      %mul3A_318 = arith.constant 16 : i32
      %mul3A_319 = arith.muli %add3A_317, %mul3A_318 : i32
      %add3A_320 = arith.constant 0 : i32
      %add3A_321 = arith.addi %add3A_320, %mul3A_319 : i32
      %get3A_322 = arith.index_cast %add3A_321 : i32 to index
      %get3A_323 = tpu.vector_load %arg6[%get3A_322] {strides = array<i32>} : memref<16384xi32, #tpu.memory_space<vmem>>, vector<16xi32>,
      %mul3A_324 = arith.constant 8 : i32
      %mul3A_325 = arith.muli %add3A_284, %mul3A_324 : i32
      %add3A_326 = arith.constant 4 : i32
      %add3A_327 = arith.addi %mul3A_325, %add3A_326 : i32
      %mul3A_328 = arith.constant 16 : i32
      %mul3A_329 = arith.muli %add3A_327, %mul3A_328 : i32
      %add3A_330 = arith.constant 0 : i32
      %add3A_331 = arith.addi %add3A_330, %mul3A_329 : i32
      %get3A_332 = arith.index_cast %add3A_331 : i32 to index
      %get3A_333 = tpu.vector_load %arg6[%get3A_332] {strides = array<i32>} : memref<16384xi32, #tpu.memory_space<vmem>>, vector<16xi32>,
      %mul3A_334 = arith.constant 8 : i32
      %mul3A_335 = arith.muli %add3A_284, %mul3A_334 : i32
      %add3A_336 = arith.constant 5 : i32
      %add3A_337 = arith.addi %mul3A_335, %add3A_336 : i32
      %mul3A_338 = arith.constant 16 : i32
      %mul3A_339 = arith.muli %add3A_337, %mul3A_338 : i32
      %add3A_340 = arith.constant 0 : i32
      %add3A_341 = arith.addi %add3A_340, %mul3A_339 : i32
      %get3A_342 = arith.index_cast %add3A_341 : i32 to index
      %get3A_343 = tpu.vector_load %arg6[%get3A_342] {strides = array<i32>} : memref<16384xi32, #tpu.memory_space<vmem>>, vector<16xi32>,
      %mul3A_344 = arith.constant 8 : i32
      %mul3A_345 = arith.muli %add3A_284, %mul3A_344 : i32
      %add3A_346 = arith.constant 6 : i32
      %add3A_347 = arith.addi %mul3A_345, %add3A_346 : i32
      %mul3A_348 = arith.constant 16 : i32
      %mul3A_349 = arith.muli %add3A_347, %mul3A_348 : i32
      %add3A_350 = arith.constant 0 : i32
      %add3A_351 = arith.addi %add3A_350, %mul3A_349 : i32
      %get3A_352 = arith.index_cast %add3A_351 : i32 to index
      %get3A_353 = tpu.vector_load %arg6[%get3A_352] {strides = array<i32>} : memref<16384xi32, #tpu.memory_space<vmem>>, vector<16xi32>,
      %mul3A_354 = arith.constant 8 : i32
      %mul3A_355 = arith.muli %add3A_284, %mul3A_354 : i32
      %add3A_356 = arith.constant 7 : i32
      %add3A_357 = arith.addi %mul3A_355, %add3A_356 : i32
      %mul3A_358 = arith.constant 16 : i32
      %mul3A_359 = arith.muli %add3A_357, %mul3A_358 : i32
      %add3A_360 = arith.constant 0 : i32
      %add3A_361 = arith.addi %add3A_360, %mul3A_359 : i32
      %get3A_362 = arith.index_cast %add3A_361 : i32 to index
      %get3A_363 = tpu.vector_load %arg6[%get3A_362] {strides = array<i32>} : memref<16384xi32, #tpu.memory_space<vmem>>, vector<16xi32>,
      %gather3A = tpu.vector_load_idx %arg5[%get3A_293] : memref<100000xf32, #tpu.memory_space<vmem>>[vector<16xi32>], vector<16xf32>,
      %gather3A_364 = tpu.vector_load_idx %arg5[%get3A_303] : memref<100000xf32, #tpu.memory_space<vmem>>[vector<16xi32>], vector<16xf32>,
      %gather3A_365 = tpu.vector_load_idx %arg5[%get3A_313] : memref<100000xf32, #tpu.memory_space<vmem>>[vector<16xi32>], vector<16xf32>,
      %gather3A_366 = tpu.vector_load_idx %arg5[%get3A_323] : memref<100000xf32, #tpu.memory_space<vmem>>[vector<16xi32>], vector<16xf32>,
      %gather3A_367 = tpu.vector_load_idx %arg5[%get3A_333] : memref<100000xf32, #tpu.memory_space<vmem>>[vector<16xi32>], vector<16xf32>,
      %gather3A_368 = tpu.vector_load_idx %arg5[%get3A_343] : memref<100000xf32, #tpu.memory_space<vmem>>[vector<16xi32>], vector<16xf32>,
      %gather3A_369 = tpu.vector_load_idx %arg5[%get3A_353] : memref<100000xf32, #tpu.memory_space<vmem>>[vector<16xi32>], vector<16xf32>,
      %gather3A_370 = tpu.vector_load_idx %arg5[%get3A_363] : memref<100000xf32, #tpu.memory_space<vmem>>[vector<16xi32>], vector<16xf32>,
      %mul3A_371 = arith.constant 8 : i32
      %mul3A_372 = arith.muli %add3A_284, %mul3A_371 : i32
      %add3A_373 = arith.constant 0 : i32
      %add3A_374 = arith.addi %mul3A_372, %add3A_373 : i32
      %mul3A_375 = arith.constant 16 : i32
      %mul3A_376 = arith.muli %add3A_374, %mul3A_375 : i32
      %swap3A = arith.constant 0 : i32
      %swap3A_377 = arith.index_cast %swap3A : i32 to index
      %swap3A_378 = arith.index_cast %mul3A_376 : i32 to index
      %swap3A_379 = tpu.vector_load %arg7[%swap3A_377, %swap3A_378] {strides = array<i32>} : memref<2x4096xf32, #tpu.memory_space<vmem>>, vector<16xf32>,
      tpu.vector_store %arg7[%swap3A_377, %swap3A_378], %gather3A {strides = array<i32>} : memref<2x4096xf32, #tpu.memory_space<vmem>>, vector<16xf32>,
      %mul3A_380 = arith.constant 8 : i32
      %mul3A_381 = arith.muli %add3A_284, %mul3A_380 : i32
      %add3A_382 = arith.constant 1 : i32
      %add3A_383 = arith.addi %mul3A_381, %add3A_382 : i32
      %mul3A_384 = arith.constant 16 : i32
      %mul3A_385 = arith.muli %add3A_383, %mul3A_384 : i32
      %swap3A_386 = arith.constant 0 : i32
      %swap3A_387 = arith.index_cast %swap3A_386 : i32 to index
      %swap3A_388 = arith.index_cast %mul3A_385 : i32 to index
      %swap3A_389 = tpu.vector_load %arg7[%swap3A_387, %swap3A_388] {strides = array<i32>} : memref<2x4096xf32, #tpu.memory_space<vmem>>, vector<16xf32>,
      tpu.vector_store %arg7[%swap3A_387, %swap3A_388], %gather3A_364 {strides = array<i32>} : memref<2x4096xf32, #tpu.memory_space<vmem>>, vector<16xf32>,
      %mul3A_390 = arith.constant 8 : i32
      %mul3A_391 = arith.muli %add3A_284, %mul3A_390 : i32
      %add3A_392 = arith.constant 2 : i32
      %add3A_393 = arith.addi %mul3A_391, %add3A_392 : i32
      %mul3A_394 = arith.constant 16 : i32
      %mul3A_395 = arith.muli %add3A_393, %mul3A_394 : i32
      %swap3A_396 = arith.constant 0 : i32
      %swap3A_397 = arith.index_cast %swap3A_396 : i32 to index
      %swap3A_398 = arith.index_cast %mul3A_395 : i32 to index
      %swap3A_399 = tpu.vector_load %arg7[%swap3A_397, %swap3A_398] {strides = array<i32>} : memref<2x4096xf32, #tpu.memory_space<vmem>>, vector<16xf32>,
      tpu.vector_store %arg7[%swap3A_397, %swap3A_398], %gather3A_365 {strides = array<i32>} : memref<2x4096xf32, #tpu.memory_space<vmem>>, vector<16xf32>,
      %mul3A_400 = arith.constant 8 : i32
      %mul3A_401 = arith.muli %add3A_284, %mul3A_400 : i32
      %add3A_402 = arith.constant 3 : i32
      %add3A_403 = arith.addi %mul3A_401, %add3A_402 : i32
      %mul3A_404 = arith.constant 16 : i32
      %mul3A_405 = arith.muli %add3A_403, %mul3A_404 : i32
      %swap3A_406 = arith.constant 0 : i32
      %swap3A_407 = arith.index_cast %swap3A_406 : i32 to index
      %swap3A_408 = arith.index_cast %mul3A_405 : i32 to index
      %swap3A_409 = tpu.vector_load %arg7[%swap3A_407, %swap3A_408] {strides = array<i32>} : memref<2x4096xf32, #tpu.memory_space<vmem>>, vector<16xf32>,
      tpu.vector_store %arg7[%swap3A_407, %swap3A_408], %gather3A_366 {strides = array<i32>} : memref<2x4096xf32, #tpu.memory_space<vmem>>, vector<16xf32>,
      %mul3A_410 = arith.constant 8 : i32
      %mul3A_411 = arith.muli %add3A_284, %mul3A_410 : i32
      %add3A_412 = arith.constant 4 : i32
      %add3A_413 = arith.addi %mul3A_411, %add3A_412 : i32
      %mul3A_414 = arith.constant 16 : i32
      %mul3A_415 = arith.muli %add3A_413, %mul3A_414 : i32
      %swap3A_416 = arith.constant 0 : i32
      %swap3A_417 = arith.index_cast %swap3A_416 : i32 to index
      %swap3A_418 = arith.index_cast %mul3A_415 : i32 to index
      %swap3A_419 = tpu.vector_load %arg7[%swap3A_417, %swap3A_418] {strides = array<i32>} : memref<2x4096xf32, #tpu.memory_space<vmem>>, vector<16xf32>,
      tpu.vector_store %arg7[%swap3A_417, %swap3A_418], %gather3A_367 {strides = array<i32>} : memref<2x4096xf32, #tpu.memory_space<vmem>>, vector<16xf32>,
      %mul3A_420 = arith.constant 8 : i32
      %mul3A_421 = arith.muli %add3A_284, %mul3A_420 : i32
      %add3A_422 = arith.constant 5 : i32
      %add3A_423 = arith.addi %mul3A_421, %add3A_422 : i32
      %mul3A_424 = arith.constant 16 : i32
      %mul3A_425 = arith.muli %add3A_423, %mul3A_424 : i32
      %swap3A_426 = arith.constant 0 : i32
      %swap3A_427 = arith.index_cast %swap3A_426 : i32 to index
      %swap3A_428 = arith.index_cast %mul3A_425 : i32 to index
      %swap3A_429 = tpu.vector_load %arg7[%swap3A_427, %swap3A_428] {strides = array<i32>} : memref<2x4096xf32, #tpu.memory_space<vmem>>, vector<16xf32>,
      tpu.vector_store %arg7[%swap3A_427, %swap3A_428], %gather3A_368 {strides = array<i32>} : memref<2x4096xf32, #tpu.memory_space<vmem>>, vector<16xf32>,
      %mul3A_430 = arith.constant 8 : i32
      %mul3A_431 = arith.muli %add3A_284, %mul3A_430 : i32
      %add3A_432 = arith.constant 6 : i32
      %add3A_433 = arith.addi %mul3A_431, %add3A_432 : i32
      %mul3A_434 = arith.constant 16 : i32
      %mul3A_435 = arith.muli %add3A_433, %mul3A_434 : i32
      %swap3A_436 = arith.constant 0 : i32
      %swap3A_437 = arith.index_cast %swap3A_436 : i32 to index
      %swap3A_438 = arith.index_cast %mul3A_435 : i32 to index
      %swap3A_439 = tpu.vector_load %arg7[%swap3A_437, %swap3A_438] {strides = array<i32>} : memref<2x4096xf32, #tpu.memory_space<vmem>>, vector<16xf32>,
      tpu.vector_store %arg7[%swap3A_437, %swap3A_438], %gather3A_369 {strides = array<i32>} : memref<2x4096xf32, #tpu.memory_space<vmem>>, vector<16xf32>,
      %mul3A_440 = arith.constant 8 : i32
      %mul3A_441 = arith.muli %add3A_284, %mul3A_440 : i32
      %add3A_442 = arith.constant 7 : i32
      %add3A_443 = arith.addi %mul3A_441, %add3A_442 : i32
      %mul3A_444 = arith.constant 16 : i32
      %mul3A_445 = arith.muli %add3A_443, %mul3A_444 : i32
      %swap3A_446 = arith.constant 0 : i32
      %swap3A_447 = arith.index_cast %swap3A_446 : i32 to index
      %swap3A_448 = arith.index_cast %mul3A_445 : i32 to index
      %swap3A_449 = tpu.vector_load %arg7[%swap3A_447, %swap3A_448] {strides = array<i32>} : memref<2x4096xf32, #tpu.memory_space<vmem>>, vector<16xf32>,
      tpu.vector_store %arg7[%swap3A_447, %swap3A_448], %gather3A_370 {strides = array<i32>} : memref<2x4096xf32, #tpu.memory_space<vmem>>, vector<16xf32>,
    }
    %scan3A_18 = arith.constant 32 : i32
    %dma_start3A_19 = arith.constant 0 : i32
    %dma_start3A_20 = arith.constant 0 : i32
    %dma_start3A_21 = tpu.memref_slice %arg7[%dma_start3A_19, %dma_start3A_20] : memref<2x4096xf32, #tpu.memory_space<vmem>> -> memref<1x4096xf32, #tpu.memory_space<vmem>>
    %dma_start3A_22 = tpu.memref_squeeze %dma_start3A_21 : memref<1x4096xf32, #tpu.memory_space<vmem>> -> memref<4096xf32, #tpu.memory_space<vmem>>
    %dma_start3A_23 = arith.constant 0 : i32
    %dma_start3A_24 = tpu.memref_slice %arg4[%add3A_4, %dma_start3A_23] : memref<64x16384xf32, #tpu.memory_space<hbm>> -> memref<1x4096xf32, #tpu.memory_space<hbm>>
    %dma_start3A_25 = tpu.memref_squeeze %dma_start3A_24 : memref<1x4096xf32, #tpu.memory_space<hbm>> -> memref<4096xf32, #tpu.memory_space<hbm>>
    %dma_start3A_26 = arith.constant 0 : i32
    %dma_start3A_27 = tpu.memref_slice %arg4[%add3A_4, %dma_start3A_26] : memref<64x16384xf32, #tpu.memory_space<hbm>> -> memref<1x4096xf32, #tpu.memory_space<hbm>>
    %dma_start3A_28 = tpu.memref_squeeze %dma_start3A_27 : memref<1x4096xf32, #tpu.memory_space<hbm>> -> memref<4096xf32, #tpu.memory_space<hbm>>
    %dma_start3A_29 = arith.constant 0 : i32
    %dma_start3A_30 = tpu.memref_slice %arg7[%dma_start3A_19, %dma_start3A_29] : memref<2x4096xf32, #tpu.memory_space<vmem>> -> memref<1x4096xf32, #tpu.memory_space<vmem>>
    %dma_start3A_31 = tpu.memref_squeeze %dma_start3A_30 : memref<1x4096xf32, #tpu.memory_space<vmem>> -> memref<4096xf32, #tpu.memory_space<vmem>>
    tpu.enqueue_dma source(%dma_start3A_31 : memref<4096xf32, #tpu.memory_space<vmem>>) target(%dma_start3A_28 : memref<4096xf32, #tpu.memory_space<hbm>>) target_semaphore(%arg10 : memref<!tpu.dma_semaphore, #tpu.memory_space<semaphore_mem>>)
    %scan3A_32 = arith.constant 0 : i32
    %scan3A_33 = arith.constant 32 : i32
    %scan3A_34 = arith.addi %scan3A_32, %scan3A_33 : i32
    %scan3A_35 = arith.constant 1 : i32
    scf.for %scan3A_280 = %scan3A_32 to %scan3A_34 step %scan3A_35  : i32 {
      %mul3A_281 = arith.constant 1 : i32
      %mul3A_282 = arith.muli %scan3A_280, %mul3A_281 : i32
      %add3A_283 = arith.constant 0 : i32
      %add3A_284 = arith.addi %add3A_283, %mul3A_282 : i32
      %mul3A_285 = arith.constant 8 : i32
      %mul3A_286 = arith.muli %add3A_284, %mul3A_285 : i32
      %add3A_287 = arith.constant 0 : i32
      %add3A_288 = arith.addi %mul3A_286, %add3A_287 : i32
      %mul3A_289 = arith.constant 16 : i32
      %mul3A_290 = arith.muli %add3A_288, %mul3A_289 : i32
      %add3A_291 = arith.constant 4096 : i32
      %add3A_292 = arith.addi %add3A_291, %mul3A_290 : i32
      %get3A = arith.index_cast %add3A_292 : i32 to index
      %get3A_293 = tpu.vector_load %arg6[%get3A] {strides = array<i32>} : memref<16384xi32, #tpu.memory_space<vmem>>, vector<16xi32>,
      %mul3A_294 = arith.constant 8 : i32
      %mul3A_295 = arith.muli %add3A_284, %mul3A_294 : i32
      %add3A_296 = arith.constant 1 : i32
      %add3A_297 = arith.addi %mul3A_295, %add3A_296 : i32
      %mul3A_298 = arith.constant 16 : i32
      %mul3A_299 = arith.muli %add3A_297, %mul3A_298 : i32
      %add3A_300 = arith.constant 4096 : i32
      %add3A_301 = arith.addi %add3A_300, %mul3A_299 : i32
      %get3A_302 = arith.index_cast %add3A_301 : i32 to index
      %get3A_303 = tpu.vector_load %arg6[%get3A_302] {strides = array<i32>} : memref<16384xi32, #tpu.memory_space<vmem>>, vector<16xi32>,
      %mul3A_304 = arith.constant 8 : i32
      %mul3A_305 = arith.muli %add3A_284, %mul3A_304 : i32
      %add3A_306 = arith.constant 2 : i32
      %add3A_307 = arith.addi %mul3A_305, %add3A_306 : i32
      %mul3A_308 = arith.constant 16 : i32
      %mul3A_309 = arith.muli %add3A_307, %mul3A_308 : i32
      %add3A_310 = arith.constant 4096 : i32
      %add3A_311 = arith.addi %add3A_310, %mul3A_309 : i32
      %get3A_312 = arith.index_cast %add3A_311 : i32 to index
      %get3A_313 = tpu.vector_load %arg6[%get3A_312] {strides = array<i32>} : memref<16384xi32, #tpu.memory_space<vmem>>, vector<16xi32>,
      %mul3A_314 = arith.constant 8 : i32
      %mul3A_315 = arith.muli %add3A_284, %mul3A_314 : i32
      %add3A_316 = arith.constant 3 : i32
      %add3A_317 = arith.addi %mul3A_315, %add3A_316 : i32
      %mul3A_318 = arith.constant 16 : i32
      %mul3A_319 = arith.muli %add3A_317, %mul3A_318 : i32
      %add3A_320 = arith.constant 4096 : i32
      %add3A_321 = arith.addi %add3A_320, %mul3A_319 : i32
      %get3A_322 = arith.index_cast %add3A_321 : i32 to index
      %get3A_323 = tpu.vector_load %arg6[%get3A_322] {strides = array<i32>} : memref<16384xi32, #tpu.memory_space<vmem>>, vector<16xi32>,
      %mul3A_324 = arith.constant 8 : i32
      %mul3A_325 = arith.muli %add3A_284, %mul3A_324 : i32
      %add3A_326 = arith.constant 4 : i32
      %add3A_327 = arith.addi %mul3A_325, %add3A_326 : i32
      %mul3A_328 = arith.constant 16 : i32
      %mul3A_329 = arith.muli %add3A_327, %mul3A_328 : i32
      %add3A_330 = arith.constant 4096 : i32
      %add3A_331 = arith.addi %add3A_330, %mul3A_329 : i32
      %get3A_332 = arith.index_cast %add3A_331 : i32 to index
      %get3A_333 = tpu.vector_load %arg6[%get3A_332] {strides = array<i32>} : memref<16384xi32, #tpu.memory_space<vmem>>, vector<16xi32>,
      %mul3A_334 = arith.constant 8 : i32
      %mul3A_335 = arith.muli %add3A_284, %mul3A_334 : i32
      %add3A_336 = arith.constant 5 : i32
      %add3A_337 = arith.addi %mul3A_335, %add3A_336 : i32
      %mul3A_338 = arith.constant 16 : i32
      %mul3A_339 = arith.muli %add3A_337, %mul3A_338 : i32
      %add3A_340 = arith.constant 4096 : i32
      %add3A_341 = arith.addi %add3A_340, %mul3A_339 : i32
      %get3A_342 = arith.index_cast %add3A_341 : i32 to index
      %get3A_343 = tpu.vector_load %arg6[%get3A_342] {strides = array<i32>} : memref<16384xi32, #tpu.memory_space<vmem>>, vector<16xi32>,
      %mul3A_344 = arith.constant 8 : i32
      %mul3A_345 = arith.muli %add3A_284, %mul3A_344 : i32
      %add3A_346 = arith.constant 6 : i32
      %add3A_347 = arith.addi %mul3A_345, %add3A_346 : i32
      %mul3A_348 = arith.constant 16 : i32
      %mul3A_349 = arith.muli %add3A_347, %mul3A_348 : i32
      %add3A_350 = arith.constant 4096 : i32
      %add3A_351 = arith.addi %add3A_350, %mul3A_349 : i32
      %get3A_352 = arith.index_cast %add3A_351 : i32 to index
      %get3A_353 = tpu.vector_load %arg6[%get3A_352] {strides = array<i32>} : memref<16384xi32, #tpu.memory_space<vmem>>, vector<16xi32>,
      %mul3A_354 = arith.constant 8 : i32
      %mul3A_355 = arith.muli %add3A_284, %mul3A_354 : i32
      %add3A_356 = arith.constant 7 : i32
      %add3A_357 = arith.addi %mul3A_355, %add3A_356 : i32
      %mul3A_358 = arith.constant 16 : i32
      %mul3A_359 = arith.muli %add3A_357, %mul3A_358 : i32
      %add3A_360 = arith.constant 4096 : i32
      %add3A_361 = arith.addi %add3A_360, %mul3A_359 : i32
      %get3A_362 = arith.index_cast %add3A_361 : i32 to index
      %get3A_363 = tpu.vector_load %arg6[%get3A_362] {strides = array<i32>} : memref<16384xi32, #tpu.memory_space<vmem>>, vector<16xi32>,
      %gather3A = tpu.vector_load_idx %arg5[%get3A_293] : memref<100000xf32, #tpu.memory_space<vmem>>[vector<16xi32>], vector<16xf32>,
      %gather3A_364 = tpu.vector_load_idx %arg5[%get3A_303] : memref<100000xf32, #tpu.memory_space<vmem>>[vector<16xi32>], vector<16xf32>,
      %gather3A_365 = tpu.vector_load_idx %arg5[%get3A_313] : memref<100000xf32, #tpu.memory_space<vmem>>[vector<16xi32>], vector<16xf32>,
      %gather3A_366 = tpu.vector_load_idx %arg5[%get3A_323] : memref<100000xf32, #tpu.memory_space<vmem>>[vector<16xi32>], vector<16xf32>,
      %gather3A_367 = tpu.vector_load_idx %arg5[%get3A_333] : memref<100000xf32, #tpu.memory_space<vmem>>[vector<16xi32>], vector<16xf32>,
      %gather3A_368 = tpu.vector_load_idx %arg5[%get3A_343] : memref<100000xf32, #tpu.memory_space<vmem>>[vector<16xi32>], vector<16xf32>,
      %gather3A_369 = tpu.vector_load_idx %arg5[%get3A_353] : memref<100000xf32, #tpu.memory_space<vmem>>[vector<16xi32>], vector<16xf32>,
      %gather3A_370 = tpu.vector_load_idx %arg5[%get3A_363] : memref<100000xf32, #tpu.memory_space<vmem>>[vector<16xi32>], vector<16xf32>,
      %mul3A_371 = arith.constant 8 : i32
      %mul3A_372 = arith.muli %add3A_284, %mul3A_371 : i32
      %add3A_373 = arith.constant 0 : i32
      %add3A_374 = arith.addi %mul3A_372, %add3A_373 : i32
      %mul3A_375 = arith.constant 16 : i32
      %mul3A_376 = arith.muli %add3A_374, %mul3A_375 : i32
      %swap3A = arith.constant 1 : i32
      %swap3A_377 = arith.index_cast %swap3A : i32 to index
      %swap3A_378 = arith.index_cast %mul3A_376 : i32 to index
      %swap3A_379 = tpu.vector_load %arg7[%swap3A_377, %swap3A_378] {strides = array<i32>} : memref<2x4096xf32, #tpu.memory_space<vmem>>, vector<16xf32>,
      tpu.vector_store %arg7[%swap3A_377, %swap3A_378], %gather3A {strides = array<i32>} : memref<2x4096xf32, #tpu.memory_space<vmem>>, vector<16xf32>,
      %mul3A_380 = arith.constant 8 : i32
      %mul3A_381 = arith.muli %add3A_284, %mul3A_380 : i32
      %add3A_382 = arith.constant 1 : i32
      %add3A_383 = arith.addi %mul3A_381, %add3A_382 : i32
      %mul3A_384 = arith.constant 16 : i32
      %mul3A_385 = arith.muli %add3A_383, %mul3A_384 : i32
      %swap3A_386 = arith.constant 1 : i32
      %swap3A_387 = arith.index_cast %swap3A_386 : i32 to index
      %swap3A_388 = arith.index_cast %mul3A_385 : i32 to index
      %swap3A_389 = tpu.vector_load %arg7[%swap3A_387, %swap3A_388] {strides = array<i32>} : memref<2x4096xf32, #tpu.memory_space<vmem>>, vector<16xf32>,
      tpu.vector_store %arg7[%swap3A_387, %swap3A_388], %gather3A_364 {strides = array<i32>} : memref<2x4096xf32, #tpu.memory_space<vmem>>, vector<16xf32>,
      %mul3A_390 = arith.constant 8 : i32
      %mul3A_391 = arith.muli %add3A_284, %mul3A_390 : i32
      %add3A_392 = arith.constant 2 : i32
      %add3A_393 = arith.addi %mul3A_391, %add3A_392 : i32
      %mul3A_394 = arith.constant 16 : i32
      %mul3A_395 = arith.muli %add3A_393, %mul3A_394 : i32
      %swap3A_396 = arith.constant 1 : i32
      %swap3A_397 = arith.index_cast %swap3A_396 : i32 to index
      %swap3A_398 = arith.index_cast %mul3A_395 : i32 to index
      %swap3A_399 = tpu.vector_load %arg7[%swap3A_397, %swap3A_398] {strides = array<i32>} : memref<2x4096xf32, #tpu.memory_space<vmem>>, vector<16xf32>,
      tpu.vector_store %arg7[%swap3A_397, %swap3A_398], %gather3A_365 {strides = array<i32>} : memref<2x4096xf32, #tpu.memory_space<vmem>>, vector<16xf32>,
      %mul3A_400 = arith.constant 8 : i32
      %mul3A_401 = arith.muli %add3A_284, %mul3A_400 : i32
      %add3A_402 = arith.constant 3 : i32
      %add3A_403 = arith.addi %mul3A_401, %add3A_402 : i32
      %mul3A_404 = arith.constant 16 : i32
      %mul3A_405 = arith.muli %add3A_403, %mul3A_404 : i32
      %swap3A_406 = arith.constant 1 : i32
      %swap3A_407 = arith.index_cast %swap3A_406 : i32 to index
      %swap3A_408 = arith.index_cast %mul3A_405 : i32 to index
      %swap3A_409 = tpu.vector_load %arg7[%swap3A_407, %swap3A_408] {strides = array<i32>} : memref<2x4096xf32, #tpu.memory_space<vmem>>, vector<16xf32>,
      tpu.vector_store %arg7[%swap3A_407, %swap3A_408], %gather3A_366 {strides = array<i32>} : memref<2x4096xf32, #tpu.memory_space<vmem>>, vector<16xf32>,
      %mul3A_410 = arith.constant 8 : i32
      %mul3A_411 = arith.muli %add3A_284, %mul3A_410 : i32
      %add3A_412 = arith.constant 4 : i32
      %add3A_413 = arith.addi %mul3A_411, %add3A_412 : i32
      %mul3A_414 = arith.constant 16 : i32
      %mul3A_415 = arith.muli %add3A_413, %mul3A_414 : i32
      %swap3A_416 = arith.constant 1 : i32
      %swap3A_417 = arith.index_cast %swap3A_416 : i32 to index
      %swap3A_418 = arith.index_cast %mul3A_415 : i32 to index
      %swap3A_419 = tpu.vector_load %arg7[%swap3A_417, %swap3A_418] {strides = array<i32>} : memref<2x4096xf32, #tpu.memory_space<vmem>>, vector<16xf32>,
      tpu.vector_store %arg7[%swap3A_417, %swap3A_418], %gather3A_367 {strides = array<i32>} : memref<2x4096xf32, #tpu.memory_space<vmem>>, vector<16xf32>,
      %mul3A_420 = arith.constant 8 : i32
      %mul3A_421 = arith.muli %add3A_284, %mul3A_420 : i32
      %add3A_422 = arith.constant 5 : i32
      %add3A_423 = arith.addi %mul3A_421, %add3A_422 : i32
      %mul3A_424 = arith.constant 16 : i32
      %mul3A_425 = arith.muli %add3A_423, %mul3A_424 : i32
      %swap3A_426 = arith.constant 1 : i32
      %swap3A_427 = arith.index_cast %swap3A_426 : i32 to index
      %swap3A_428 = arith.index_cast %mul3A_425 : i32 to index
      %swap3A_429 = tpu.vector_load %arg7[%swap3A_427, %swap3A_428] {strides = array<i32>} : memref<2x4096xf32, #tpu.memory_space<vmem>>, vector<16xf32>,
      tpu.vector_store %arg7[%swap3A_427, %swap3A_428], %gather3A_368 {strides = array<i32>} : memref<2x4096xf32, #tpu.memory_space<vmem>>, vector<16xf32>,
      %mul3A_430 = arith.constant 8 : i32
      %mul3A_431 = arith.muli %add3A_284, %mul3A_430 : i32
      %add3A_432 = arith.constant 6 : i32
      %add3A_433 = arith.addi %mul3A_431, %add3A_432 : i32
      %mul3A_434 = arith.constant 16 : i32
      %mul3A_435 = arith.muli %add3A_433, %mul3A_434 : i32
      %swap3A_436 = arith.constant 1 : i32
      %swap3A_437 = arith.index_cast %swap3A_436 : i32 to index
      %swap3A_438 = arith.index_cast %mul3A_435 : i32 to index
      %swap3A_439 = tpu.vector_load %arg7[%swap3A_437, %swap3A_438] {strides = array<i32>} : memref<2x4096xf32, #tpu.memory_space<vmem>>, vector<16xf32>,
      tpu.vector_store %arg7[%swap3A_437, %swap3A_438], %gather3A_369 {strides = array<i32>} : memref<2x4096xf32, #tpu.memory_space<vmem>>, vector<16xf32>,
      %mul3A_440 = arith.constant 8 : i32
      %mul3A_441 = arith.muli %add3A_284, %mul3A_440 : i32
      %add3A_442 = arith.constant 7 : i32
      %add3A_443 = arith.addi %mul3A_441, %add3A_442 : i32
      %mul3A_444 = arith.constant 16 : i32
      %mul3A_445 = arith.muli %add3A_443, %mul3A_444 : i32
      %swap3A_446 = arith.constant 1 : i32
      %swap3A_447 = arith.index_cast %swap3A_446 : i32 to index
      %swap3A_448 = arith.index_cast %mul3A_445 : i32 to index
      %swap3A_449 = tpu.vector_load %arg7[%swap3A_447, %swap3A_448] {strides = array<i32>} : memref<2x4096xf32, #tpu.memory_space<vmem>>, vector<16xf32>,
      tpu.vector_store %arg7[%swap3A_447, %swap3A_448], %gather3A_370 {strides = array<i32>} : memref<2x4096xf32, #tpu.memory_space<vmem>>, vector<16xf32>,
    }
    %scan3A_36 = arith.constant 32 : i32
    %dma_start3A_37 = arith.constant 1 : i32
    %dma_start3A_38 = arith.constant 0 : i32
    %dma_start3A_39 = tpu.memref_slice %arg7[%dma_start3A_37, %dma_start3A_38] : memref<2x4096xf32, #tpu.memory_space<vmem>> -> memref<1x4096xf32, #tpu.memory_space<vmem>>
    %dma_start3A_40 = tpu.memref_squeeze %dma_start3A_39 : memref<1x4096xf32, #tpu.memory_space<vmem>> -> memref<4096xf32, #tpu.memory_space<vmem>>
    %dma_start3A_41 = arith.constant 4096 : i32
    %dma_start3A_42 = tpu.memref_slice %arg4[%add3A_4, %dma_start3A_41] : memref<64x16384xf32, #tpu.memory_space<hbm>> -> memref<1x4096xf32, #tpu.memory_space<hbm>>
    %dma_start3A_43 = tpu.memref_squeeze %dma_start3A_42 : memref<1x4096xf32, #tpu.memory_space<hbm>> -> memref<4096xf32, #tpu.memory_space<hbm>>
    %dma_start3A_44 = arith.constant 4096 : i32
    %dma_start3A_45 = tpu.memref_slice %arg4[%add3A_4, %dma_start3A_44] : memref<64x16384xf32, #tpu.memory_space<hbm>> -> memref<1x4096xf32, #tpu.memory_space<hbm>>
    %dma_start3A_46 = tpu.memref_squeeze %dma_start3A_45 : memref<1x4096xf32, #tpu.memory_space<hbm>> -> memref<4096xf32, #tpu.memory_space<hbm>>
    %dma_start3A_47 = arith.constant 0 : i32
    %dma_start3A_48 = tpu.memref_slice %arg7[%dma_start3A_37, %dma_start3A_47] : memref<2x4096xf32, #tpu.memory_space<vmem>> -> memref<1x4096xf32, #tpu.memory_space<vmem>>
    %dma_start3A_49 = tpu.memref_squeeze %dma_start3A_48 : memref<1x4096xf32, #tpu.memory_space<vmem>> -> memref<4096xf32, #tpu.memory_space<vmem>>
    tpu.enqueue_dma source(%dma_start3A_49 : memref<4096xf32, #tpu.memory_space<vmem>>) target(%dma_start3A_46 : memref<4096xf32, #tpu.memory_space<hbm>>) target_semaphore(%arg10 : memref<!tpu.dma_semaphore, #tpu.memory_space<semaphore_mem>>)
    %dma_wait3A_50 = arith.constant 0 : i32
    %dma_wait3A_51 = arith.constant 0 : i32
    %dma_wait3A_52 = tpu.memref_slice %arg7[%dma_wait3A_50, %dma_wait3A_51] : memref<2x4096xf32, #tpu.memory_space<vmem>> -> memref<1x4096xf32, #tpu.memory_space<vmem>>
    %dma_wait3A_53 = tpu.memref_squeeze %dma_wait3A_52 : memref<1x4096xf32, #tpu.memory_space<vmem>> -> memref<4096xf32, #tpu.memory_space<vmem>>
    %dma_wait3A_54 = arith.constant 0 : i32
    %dma_wait3A_55 = tpu.memref_slice %arg4[%add3A_4, %dma_wait3A_54] : memref<64x16384xf32, #tpu.memory_space<hbm>> -> memref<1x4096xf32, #tpu.memory_space<hbm>>
    %dma_wait3A_56 = tpu.memref_squeeze %dma_wait3A_55 : memref<1x4096xf32, #tpu.memory_space<hbm>> -> memref<4096xf32, #tpu.memory_space<hbm>>
    %dma_wait3A_57 = arith.constant 0 : i32
    %dma_wait3A_58 = tpu.memref_slice %arg4[%add3A_4, %dma_wait3A_57] : memref<64x16384xf32, #tpu.memory_space<hbm>> -> memref<1x4096xf32, #tpu.memory_space<hbm>>
    %dma_wait3A_59 = tpu.memref_squeeze %dma_wait3A_58 : memref<1x4096xf32, #tpu.memory_space<hbm>> -> memref<4096xf32, #tpu.memory_space<hbm>>
    %dma_wait3A_60 = arith.constant 0 : i32
    %dma_wait3A_61 = tpu.memref_slice %arg7[%dma_wait3A_50, %dma_wait3A_60] : memref<2x4096xf32, #tpu.memory_space<vmem>> -> memref<1x4096xf32, #tpu.memory_space<vmem>>
    %dma_wait3A_62 = tpu.memref_squeeze %dma_wait3A_61 : memref<1x4096xf32, #tpu.memory_space<vmem>> -> memref<4096xf32, #tpu.memory_space<vmem>>
    tpu.wait_dma2 semaphore(%arg10 : memref<!tpu.dma_semaphore, #tpu.memory_space<semaphore_mem>>) src(%dma_wait3A_62 : memref<4096xf32, #tpu.memory_space<vmem>>) dst(%dma_wait3A_59 : memref<4096xf32, #tpu.memory_space<hbm>>)
    %scan3A_63 = arith.constant 0 : i32
    %scan3A_64 = arith.constant 32 : i32
    %scan3A_65 = arith.addi %scan3A_63, %scan3A_64 : i32
    %scan3A_66 = arith.constant 1 : i32
    scf.for %scan3A_280 = %scan3A_63 to %scan3A_65 step %scan3A_66  : i32 {
      %mul3A_281 = arith.constant 1 : i32
      %mul3A_282 = arith.muli %scan3A_280, %mul3A_281 : i32
      %add3A_283 = arith.constant 0 : i32
      %add3A_284 = arith.addi %add3A_283, %mul3A_282 : i32
      %mul3A_285 = arith.constant 8 : i32
      %mul3A_286 = arith.muli %add3A_284, %mul3A_285 : i32
      %add3A_287 = arith.constant 0 : i32
      %add3A_288 = arith.addi %mul3A_286, %add3A_287 : i32
      %mul3A_289 = arith.constant 16 : i32
      %mul3A_290 = arith.muli %add3A_288, %mul3A_289 : i32
      %add3A_291 = arith.constant 8192 : i32
      %add3A_292 = arith.addi %add3A_291, %mul3A_290 : i32
      %get3A = arith.index_cast %add3A_292 : i32 to index
      %get3A_293 = tpu.vector_load %arg6[%get3A] {strides = array<i32>} : memref<16384xi32, #tpu.memory_space<vmem>>, vector<16xi32>,
      %mul3A_294 = arith.constant 8 : i32
      %mul3A_295 = arith.muli %add3A_284, %mul3A_294 : i32
      %add3A_296 = arith.constant 1 : i32
      %add3A_297 = arith.addi %mul3A_295, %add3A_296 : i32
      %mul3A_298 = arith.constant 16 : i32
      %mul3A_299 = arith.muli %add3A_297, %mul3A_298 : i32
      %add3A_300 = arith.constant 8192 : i32
      %add3A_301 = arith.addi %add3A_300, %mul3A_299 : i32
      %get3A_302 = arith.index_cast %add3A_301 : i32 to index
      %get3A_303 = tpu.vector_load %arg6[%get3A_302] {strides = array<i32>} : memref<16384xi32, #tpu.memory_space<vmem>>, vector<16xi32>,
      %mul3A_304 = arith.constant 8 : i32
      %mul3A_305 = arith.muli %add3A_284, %mul3A_304 : i32
      %add3A_306 = arith.constant 2 : i32
      %add3A_307 = arith.addi %mul3A_305, %add3A_306 : i32
      %mul3A_308 = arith.constant 16 : i32
      %mul3A_309 = arith.muli %add3A_307, %mul3A_308 : i32
      %add3A_310 = arith.constant 8192 : i32
      %add3A_311 = arith.addi %add3A_310, %mul3A_309 : i32
      %get3A_312 = arith.index_cast %add3A_311 : i32 to index
      %get3A_313 = tpu.vector_load %arg6[%get3A_312] {strides = array<i32>} : memref<16384xi32, #tpu.memory_space<vmem>>, vector<16xi32>,
      %mul3A_314 = arith.constant 8 : i32
      %mul3A_315 = arith.muli %add3A_284, %mul3A_314 : i32
      %add3A_316 = arith.constant 3 : i32
      %add3A_317 = arith.addi %mul3A_315, %add3A_316 : i32
      %mul3A_318 = arith.constant 16 : i32
      %mul3A_319 = arith.muli %add3A_317, %mul3A_318 : i32
      %add3A_320 = arith.constant 8192 : i32
      %add3A_321 = arith.addi %add3A_320, %mul3A_319 : i32
      %get3A_322 = arith.index_cast %add3A_321 : i32 to index
      %get3A_323 = tpu.vector_load %arg6[%get3A_322] {strides = array<i32>} : memref<16384xi32, #tpu.memory_space<vmem>>, vector<16xi32>,
      %mul3A_324 = arith.constant 8 : i32
      %mul3A_325 = arith.muli %add3A_284, %mul3A_324 : i32
      %add3A_326 = arith.constant 4 : i32
      %add3A_327 = arith.addi %mul3A_325, %add3A_326 : i32
      %mul3A_328 = arith.constant 16 : i32
      %mul3A_329 = arith.muli %add3A_327, %mul3A_328 : i32
      %add3A_330 = arith.constant 8192 : i32
      %add3A_331 = arith.addi %add3A_330, %mul3A_329 : i32
      %get3A_332 = arith.index_cast %add3A_331 : i32 to index
      %get3A_333 = tpu.vector_load %arg6[%get3A_332] {strides = array<i32>} : memref<16384xi32, #tpu.memory_space<vmem>>, vector<16xi32>,
      %mul3A_334 = arith.constant 8 : i32
      %mul3A_335 = arith.muli %add3A_284, %mul3A_334 : i32
      %add3A_336 = arith.constant 5 : i32
      %add3A_337 = arith.addi %mul3A_335, %add3A_336 : i32
      %mul3A_338 = arith.constant 16 : i32
      %mul3A_339 = arith.muli %add3A_337, %mul3A_338 : i32
      %add3A_340 = arith.constant 8192 : i32
      %add3A_341 = arith.addi %add3A_340, %mul3A_339 : i32
      %get3A_342 = arith.index_cast %add3A_341 : i32 to index
      %get3A_343 = tpu.vector_load %arg6[%get3A_342] {strides = array<i32>} : memref<16384xi32, #tpu.memory_space<vmem>>, vector<16xi32>,
      %mul3A_344 = arith.constant 8 : i32
      %mul3A_345 = arith.muli %add3A_284, %mul3A_344 : i32
      %add3A_346 = arith.constant 6 : i32
      %add3A_347 = arith.addi %mul3A_345, %add3A_346 : i32
      %mul3A_348 = arith.constant 16 : i32
      %mul3A_349 = arith.muli %add3A_347, %mul3A_348 : i32
      %add3A_350 = arith.constant 8192 : i32
      %add3A_351 = arith.addi %add3A_350, %mul3A_349 : i32
      %get3A_352 = arith.index_cast %add3A_351 : i32 to index
      %get3A_353 = tpu.vector_load %arg6[%get3A_352] {strides = array<i32>} : memref<16384xi32, #tpu.memory_space<vmem>>, vector<16xi32>,
      %mul3A_354 = arith.constant 8 : i32
      %mul3A_355 = arith.muli %add3A_284, %mul3A_354 : i32
      %add3A_356 = arith.constant 7 : i32
      %add3A_357 = arith.addi %mul3A_355, %add3A_356 : i32
      %mul3A_358 = arith.constant 16 : i32
      %mul3A_359 = arith.muli %add3A_357, %mul3A_358 : i32
      %add3A_360 = arith.constant 8192 : i32
      %add3A_361 = arith.addi %add3A_360, %mul3A_359 : i32
      %get3A_362 = arith.index_cast %add3A_361 : i32 to index
      %get3A_363 = tpu.vector_load %arg6[%get3A_362] {strides = array<i32>} : memref<16384xi32, #tpu.memory_space<vmem>>, vector<16xi32>,
      %gather3A = tpu.vector_load_idx %arg5[%get3A_293] : memref<100000xf32, #tpu.memory_space<vmem>>[vector<16xi32>], vector<16xf32>,
      %gather3A_364 = tpu.vector_load_idx %arg5[%get3A_303] : memref<100000xf32, #tpu.memory_space<vmem>>[vector<16xi32>], vector<16xf32>,
      %gather3A_365 = tpu.vector_load_idx %arg5[%get3A_313] : memref<100000xf32, #tpu.memory_space<vmem>>[vector<16xi32>], vector<16xf32>,
      %gather3A_366 = tpu.vector_load_idx %arg5[%get3A_323] : memref<100000xf32, #tpu.memory_space<vmem>>[vector<16xi32>], vector<16xf32>,
      %gather3A_367 = tpu.vector_load_idx %arg5[%get3A_333] : memref<100000xf32, #tpu.memory_space<vmem>>[vector<16xi32>], vector<16xf32>,
      %gather3A_368 = tpu.vector_load_idx %arg5[%get3A_343] : memref<100000xf32, #tpu.memory_space<vmem>>[vector<16xi32>], vector<16xf32>,
      %gather3A_369 = tpu.vector_load_idx %arg5[%get3A_353] : memref<100000xf32, #tpu.memory_space<vmem>>[vector<16xi32>], vector<16xf32>,
      %gather3A_370 = tpu.vector_load_idx %arg5[%get3A_363] : memref<100000xf32, #tpu.memory_space<vmem>>[vector<16xi32>], vector<16xf32>,
      %mul3A_371 = arith.constant 8 : i32
      %mul3A_372 = arith.muli %add3A_284, %mul3A_371 : i32
      %add3A_373 = arith.constant 0 : i32
      %add3A_374 = arith.addi %mul3A_372, %add3A_373 : i32
      %mul3A_375 = arith.constant 16 : i32
      %mul3A_376 = arith.muli %add3A_374, %mul3A_375 : i32
      %swap3A = arith.constant 0 : i32
      %swap3A_377 = arith.index_cast %swap3A : i32 to index
      %swap3A_378 = arith.index_cast %mul3A_376 : i32 to index
      %swap3A_379 = tpu.vector_load %arg7[%swap3A_377, %swap3A_378] {strides = array<i32>} : memref<2x4096xf32, #tpu.memory_space<vmem>>, vector<16xf32>,
      tpu.vector_store %arg7[%swap3A_377, %swap3A_378], %gather3A {strides = array<i32>} : memref<2x4096xf32, #tpu.memory_space<vmem>>, vector<16xf32>,
      %mul3A_380 = arith.constant 8 : i32
      %mul3A_381 = arith.muli %add3A_284, %mul3A_380 : i32
      %add3A_382 = arith.constant 1 : i32
      %add3A_383 = arith.addi %mul3A_381, %add3A_382 : i32
      %mul3A_384 = arith.constant 16 : i32
      %mul3A_385 = arith.muli %add3A_383, %mul3A_384 : i32
      %swap3A_386 = arith.constant 0 : i32
      %swap3A_387 = arith.index_cast %swap3A_386 : i32 to index
      %swap3A_388 = arith.index_cast %mul3A_385 : i32 to index
      %swap3A_389 = tpu.vector_load %arg7[%swap3A_387, %swap3A_388] {strides = array<i32>} : memref<2x4096xf32, #tpu.memory_space<vmem>>, vector<16xf32>,
      tpu.vector_store %arg7[%swap3A_387, %swap3A_388], %gather3A_364 {strides = array<i32>} : memref<2x4096xf32, #tpu.memory_space<vmem>>, vector<16xf32>,
      %mul3A_390 = arith.constant 8 : i32
      %mul3A_391 = arith.muli %add3A_284, %mul3A_390 : i32
      %add3A_392 = arith.constant 2 : i32
      %add3A_393 = arith.addi %mul3A_391, %add3A_392 : i32
      %mul3A_394 = arith.constant 16 : i32
      %mul3A_395 = arith.muli %add3A_393, %mul3A_394 : i32
      %swap3A_396 = arith.constant 0 : i32
      %swap3A_397 = arith.index_cast %swap3A_396 : i32 to index
      %swap3A_398 = arith.index_cast %mul3A_395 : i32 to index
      %swap3A_399 = tpu.vector_load %arg7[%swap3A_397, %swap3A_398] {strides = array<i32>} : memref<2x4096xf32, #tpu.memory_space<vmem>>, vector<16xf32>,
      tpu.vector_store %arg7[%swap3A_397, %swap3A_398], %gather3A_365 {strides = array<i32>} : memref<2x4096xf32, #tpu.memory_space<vmem>>, vector<16xf32>,
      %mul3A_400 = arith.constant 8 : i32
      %mul3A_401 = arith.muli %add3A_284, %mul3A_400 : i32
      %add3A_402 = arith.constant 3 : i32
      %add3A_403 = arith.addi %mul3A_401, %add3A_402 : i32
      %mul3A_404 = arith.constant 16 : i32
      %mul3A_405 = arith.muli %add3A_403, %mul3A_404 : i32
      %swap3A_406 = arith.constant 0 : i32
      %swap3A_407 = arith.index_cast %swap3A_406 : i32 to index
      %swap3A_408 = arith.index_cast %mul3A_405 : i32 to index
      %swap3A_409 = tpu.vector_load %arg7[%swap3A_407, %swap3A_408] {strides = array<i32>} : memref<2x4096xf32, #tpu.memory_space<vmem>>, vector<16xf32>,
      tpu.vector_store %arg7[%swap3A_407, %swap3A_408], %gather3A_366 {strides = array<i32>} : memref<2x4096xf32, #tpu.memory_space<vmem>>, vector<16xf32>,
      %mul3A_410 = arith.constant 8 : i32
      %mul3A_411 = arith.muli %add3A_284, %mul3A_410 : i32
      %add3A_412 = arith.constant 4 : i32
      %add3A_413 = arith.addi %mul3A_411, %add3A_412 : i32
      %mul3A_414 = arith.constant 16 : i32
      %mul3A_415 = arith.muli %add3A_413, %mul3A_414 : i32
      %swap3A_416 = arith.constant 0 : i32
      %swap3A_417 = arith.index_cast %swap3A_416 : i32 to index
      %swap3A_418 = arith.index_cast %mul3A_415 : i32 to index
      %swap3A_419 = tpu.vector_load %arg7[%swap3A_417, %swap3A_418] {strides = array<i32>} : memref<2x4096xf32, #tpu.memory_space<vmem>>, vector<16xf32>,
      tpu.vector_store %arg7[%swap3A_417, %swap3A_418], %gather3A_367 {strides = array<i32>} : memref<2x4096xf32, #tpu.memory_space<vmem>>, vector<16xf32>,
      %mul3A_420 = arith.constant 8 : i32
      %mul3A_421 = arith.muli %add3A_284, %mul3A_420 : i32
      %add3A_422 = arith.constant 5 : i32
      %add3A_423 = arith.addi %mul3A_421, %add3A_422 : i32
      %mul3A_424 = arith.constant 16 : i32
      %mul3A_425 = arith.muli %add3A_423, %mul3A_424 : i32
      %swap3A_426 = arith.constant 0 : i32
      %swap3A_427 = arith.index_cast %swap3A_426 : i32 to index
      %swap3A_428 = arith.index_cast %mul3A_425 : i32 to index
      %swap3A_429 = tpu.vector_load %arg7[%swap3A_427, %swap3A_428] {strides = array<i32>} : memref<2x4096xf32, #tpu.memory_space<vmem>>, vector<16xf32>,
      tpu.vector_store %arg7[%swap3A_427, %swap3A_428], %gather3A_368 {strides = array<i32>} : memref<2x4096xf32, #tpu.memory_space<vmem>>, vector<16xf32>,
      %mul3A_430 = arith.constant 8 : i32
      %mul3A_431 = arith.muli %add3A_284, %mul3A_430 : i32
      %add3A_432 = arith.constant 6 : i32
      %add3A_433 = arith.addi %mul3A_431, %add3A_432 : i32
      %mul3A_434 = arith.constant 16 : i32
      %mul3A_435 = arith.muli %add3A_433, %mul3A_434 : i32
      %swap3A_436 = arith.constant 0 : i32
      %swap3A_437 = arith.index_cast %swap3A_436 : i32 to index
      %swap3A_438 = arith.index_cast %mul3A_435 : i32 to index
      %swap3A_439 = tpu.vector_load %arg7[%swap3A_437, %swap3A_438] {strides = array<i32>} : memref<2x4096xf32, #tpu.memory_space<vmem>>, vector<16xf32>,
      tpu.vector_store %arg7[%swap3A_437, %swap3A_438], %gather3A_369 {strides = array<i32>} : memref<2x4096xf32, #tpu.memory_space<vmem>>, vector<16xf32>,
      %mul3A_440 = arith.constant 8 : i32
      %mul3A_441 = arith.muli %add3A_284, %mul3A_440 : i32
      %add3A_442 = arith.constant 7 : i32
      %add3A_443 = arith.addi %mul3A_441, %add3A_442 : i32
      %mul3A_444 = arith.constant 16 : i32
      %mul3A_445 = arith.muli %add3A_443, %mul3A_444 : i32
      %swap3A_446 = arith.constant 0 : i32
      %swap3A_447 = arith.index_cast %swap3A_446 : i32 to index
      %swap3A_448 = arith.index_cast %mul3A_445 : i32 to index
      %swap3A_449 = tpu.vector_load %arg7[%swap3A_447, %swap3A_448] {strides = array<i32>} : memref<2x4096xf32, #tpu.memory_space<vmem>>, vector<16xf32>,
      tpu.vector_store %arg7[%swap3A_447, %swap3A_448], %gather3A_370 {strides = array<i32>} : memref<2x4096xf32, #tpu.memory_space<vmem>>, vector<16xf32>,
    }
    %scan3A_67 = arith.constant 32 : i32
    %dma_start3A_68 = arith.constant 0 : i32
    %dma_start3A_69 = arith.constant 0 : i32
    %dma_start3A_70 = tpu.memref_slice %arg7[%dma_start3A_68, %dma_start3A_69] : memref<2x4096xf32, #tpu.memory_space<vmem>> -> memref<1x4096xf32, #tpu.memory_space<vmem>>
    %dma_start3A_71 = tpu.memref_squeeze %dma_start3A_70 : memref<1x4096xf32, #tpu.memory_space<vmem>> -> memref<4096xf32, #tpu.memory_space<vmem>>
    %dma_start3A_72 = arith.constant 8192 : i32
    %dma_start3A_73 = tpu.memref_slice %arg4[%add3A_4, %dma_start3A_72] : memref<64x16384xf32, #tpu.memory_space<hbm>> -> memref<1x4096xf32, #tpu.memory_space<hbm>>
    %dma_start3A_74 = tpu.memref_squeeze %dma_start3A_73 : memref<1x4096xf32, #tpu.memory_space<hbm>> -> memref<4096xf32, #tpu.memory_space<hbm>>
    %dma_start3A_75 = arith.constant 8192 : i32
    %dma_start3A_76 = tpu.memref_slice %arg4[%add3A_4, %dma_start3A_75] : memref<64x16384xf32, #tpu.memory_space<hbm>> -> memref<1x4096xf32, #tpu.memory_space<hbm>>
    %dma_start3A_77 = tpu.memref_squeeze %dma_start3A_76 : memref<1x4096xf32, #tpu.memory_space<hbm>> -> memref<4096xf32, #tpu.memory_space<hbm>>
    %dma_start3A_78 = arith.constant 0 : i32
    %dma_start3A_79 = tpu.memref_slice %arg7[%dma_start3A_68, %dma_start3A_78] : memref<2x4096xf32, #tpu.memory_space<vmem>> -> memref<1x4096xf32, #tpu.memory_space<vmem>>
    %dma_start3A_80 = tpu.memref_squeeze %dma_start3A_79 : memref<1x4096xf32, #tpu.memory_space<vmem>> -> memref<4096xf32, #tpu.memory_space<vmem>>
    tpu.enqueue_dma source(%dma_start3A_80 : memref<4096xf32, #tpu.memory_space<vmem>>) target(%dma_start3A_77 : memref<4096xf32, #tpu.memory_space<hbm>>) target_semaphore(%arg10 : memref<!tpu.dma_semaphore, #tpu.memory_space<semaphore_mem>>)
    %dma_wait3A_81 = arith.constant 1 : i32
    %dma_wait3A_82 = arith.constant 0 : i32
    %dma_wait3A_83 = tpu.memref_slice %arg7[%dma_wait3A_81, %dma_wait3A_82] : memref<2x4096xf32, #tpu.memory_space<vmem>> -> memref<1x4096xf32, #tpu.memory_space<vmem>>
    %dma_wait3A_84 = tpu.memref_squeeze %dma_wait3A_83 : memref<1x4096xf32, #tpu.memory_space<vmem>> -> memref<4096xf32, #tpu.memory_space<vmem>>
    %dma_wait3A_85 = arith.constant 0 : i32
    %dma_wait3A_86 = tpu.memref_slice %arg4[%add3A_4, %dma_wait3A_85] : memref<64x16384xf32, #tpu.memory_space<hbm>> -> memref<1x4096xf32, #tpu.memory_space<hbm>>
    %dma_wait3A_87 = tpu.memref_squeeze %dma_wait3A_86 : memref<1x4096xf32, #tpu.memory_space<hbm>> -> memref<4096xf32, #tpu.memory_space<hbm>>
    %dma_wait3A_88 = arith.constant 0 : i32
    %dma_wait3A_89 = tpu.memref_slice %arg4[%add3A_4, %dma_wait3A_88] : memref<64x16384xf32, #tpu.memory_space<hbm>> -> memref<1x4096xf32, #tpu.memory_space<hbm>>
    %dma_wait3A_90 = tpu.memref_squeeze %dma_wait3A_89 : memref<1x4096xf32, #tpu.memory_space<hbm>> -> memref<4096xf32, #tpu.memory_space<hbm>>
    %dma_wait3A_91 = arith.constant 0 : i32
    %dma_wait3A_92 = tpu.memref_slice %arg7[%dma_wait3A_81, %dma_wait3A_91] : memref<2x4096xf32, #tpu.memory_space<vmem>> -> memref<1x4096xf32, #tpu.memory_space<vmem>>
    %dma_wait3A_93 = tpu.memref_squeeze %dma_wait3A_92 : memref<1x4096xf32, #tpu.memory_space<vmem>> -> memref<4096xf32, #tpu.memory_space<vmem>>
    tpu.wait_dma2 semaphore(%arg10 : memref<!tpu.dma_semaphore, #tpu.memory_space<semaphore_mem>>) src(%dma_wait3A_93 : memref<4096xf32, #tpu.memory_space<vmem>>) dst(%dma_wait3A_90 : memref<4096xf32, #tpu.memory_space<hbm>>)
    %scan3A_94 = arith.constant 0 : i32
    %scan3A_95 = arith.constant 32 : i32
    %scan3A_96 = arith.addi %scan3A_94, %scan3A_95 : i32
    %scan3A_97 = arith.constant 1 : i32
    scf.for %scan3A_280 = %scan3A_94 to %scan3A_96 step %scan3A_97  : i32 {
      %mul3A_281 = arith.constant 1 : i32
      %mul3A_282 = arith.muli %scan3A_280, %mul3A_281 : i32
      %add3A_283 = arith.constant 0 : i32
      %add3A_284 = arith.addi %add3A_283, %mul3A_282 : i32
      %mul3A_285 = arith.constant 8 : i32
      %mul3A_286 = arith.muli %add3A_284, %mul3A_285 : i32
      %add3A_287 = arith.constant 0 : i32
      %add3A_288 = arith.addi %mul3A_286, %add3A_287 : i32
      %mul3A_289 = arith.constant 16 : i32
      %mul3A_290 = arith.muli %add3A_288, %mul3A_289 : i32
      %add3A_291 = arith.constant 12288 : i32
      %add3A_292 = arith.addi %add3A_291, %mul3A_290 : i32
      %get3A = arith.index_cast %add3A_292 : i32 to index
      %get3A_293 = tpu.vector_load %arg6[%get3A] {strides = array<i32>} : memref<16384xi32, #tpu.memory_space<vmem>>, vector<16xi32>,
      %mul3A_294 = arith.constant 8 : i32
      %mul3A_295 = arith.muli %add3A_284, %mul3A_294 : i32
      %add3A_296 = arith.constant 1 : i32
      %add3A_297 = arith.addi %mul3A_295, %add3A_296 : i32
      %mul3A_298 = arith.constant 16 : i32
      %mul3A_299 = arith.muli %add3A_297, %mul3A_298 : i32
      %add3A_300 = arith.constant 12288 : i32
      %add3A_301 = arith.addi %add3A_300, %mul3A_299 : i32
      %get3A_302 = arith.index_cast %add3A_301 : i32 to index
      %get3A_303 = tpu.vector_load %arg6[%get3A_302] {strides = array<i32>} : memref<16384xi32, #tpu.memory_space<vmem>>, vector<16xi32>,
      %mul3A_304 = arith.constant 8 : i32
      %mul3A_305 = arith.muli %add3A_284, %mul3A_304 : i32
      %add3A_306 = arith.constant 2 : i32
      %add3A_307 = arith.addi %mul3A_305, %add3A_306 : i32
      %mul3A_308 = arith.constant 16 : i32
      %mul3A_309 = arith.muli %add3A_307, %mul3A_308 : i32
      %add3A_310 = arith.constant 12288 : i32
      %add3A_311 = arith.addi %add3A_310, %mul3A_309 : i32
      %get3A_312 = arith.index_cast %add3A_311 : i32 to index
      %get3A_313 = tpu.vector_load %arg6[%get3A_312] {strides = array<i32>} : memref<16384xi32, #tpu.memory_space<vmem>>, vector<16xi32>,
      %mul3A_314 = arith.constant 8 : i32
      %mul3A_315 = arith.muli %add3A_284, %mul3A_314 : i32
      %add3A_316 = arith.constant 3 : i32
      %add3A_317 = arith.addi %mul3A_315, %add3A_316 : i32
      %mul3A_318 = arith.constant 16 : i32
      %mul3A_319 = arith.muli %add3A_317, %mul3A_318 : i32
      %add3A_320 = arith.constant 12288 : i32
      %add3A_321 = arith.addi %add3A_320, %mul3A_319 : i32
      %get3A_322 = arith.index_cast %add3A_321 : i32 to index
      %get3A_323 = tpu.vector_load %arg6[%get3A_322] {strides = array<i32>} : memref<16384xi32, #tpu.memory_space<vmem>>, vector<16xi32>,
      %mul3A_324 = arith.constant 8 : i32
      %mul3A_325 = arith.muli %add3A_284, %mul3A_324 : i32
      %add3A_326 = arith.constant 4 : i32
      %add3A_327 = arith.addi %mul3A_325, %add3A_326 : i32
      %mul3A_328 = arith.constant 16 : i32
      %mul3A_329 = arith.muli %add3A_327, %mul3A_328 : i32
      %add3A_330 = arith.constant 12288 : i32
      %add3A_331 = arith.addi %add3A_330, %mul3A_329 : i32
      %get3A_332 = arith.index_cast %add3A_331 : i32 to index
      %get3A_333 = tpu.vector_load %arg6[%get3A_332] {strides = array<i32>} : memref<16384xi32, #tpu.memory_space<vmem>>, vector<16xi32>,
      %mul3A_334 = arith.constant 8 : i32
      %mul3A_335 = arith.muli %add3A_284, %mul3A_334 : i32
      %add3A_336 = arith.constant 5 : i32
      %add3A_337 = arith.addi %mul3A_335, %add3A_336 : i32
      %mul3A_338 = arith.constant 16 : i32
      %mul3A_339 = arith.muli %add3A_337, %mul3A_338 : i32
      %add3A_340 = arith.constant 12288 : i32
      %add3A_341 = arith.addi %add3A_340, %mul3A_339 : i32
      %get3A_342 = arith.index_cast %add3A_341 : i32 to index
      %get3A_343 = tpu.vector_load %arg6[%get3A_342] {strides = array<i32>} : memref<16384xi32, #tpu.memory_space<vmem>>, vector<16xi32>,
      %mul3A_344 = arith.constant 8 : i32
      %mul3A_345 = arith.muli %add3A_284, %mul3A_344 : i32
      %add3A_346 = arith.constant 6 : i32
      %add3A_347 = arith.addi %mul3A_345, %add3A_346 : i32
      %mul3A_348 = arith.constant 16 : i32
      %mul3A_349 = arith.muli %add3A_347, %mul3A_348 : i32
      %add3A_350 = arith.constant 12288 : i32
      %add3A_351 = arith.addi %add3A_350, %mul3A_349 : i32
      %get3A_352 = arith.index_cast %add3A_351 : i32 to index
      %get3A_353 = tpu.vector_load %arg6[%get3A_352] {strides = array<i32>} : memref<16384xi32, #tpu.memory_space<vmem>>, vector<16xi32>,
      %mul3A_354 = arith.constant 8 : i32
      %mul3A_355 = arith.muli %add3A_284, %mul3A_354 : i32
      %add3A_356 = arith.constant 7 : i32
      %add3A_357 = arith.addi %mul3A_355, %add3A_356 : i32
      %mul3A_358 = arith.constant 16 : i32
      %mul3A_359 = arith.muli %add3A_357, %mul3A_358 : i32
      %add3A_360 = arith.constant 12288 : i32
      %add3A_361 = arith.addi %add3A_360, %mul3A_359 : i32
      %get3A_362 = arith.index_cast %add3A_361 : i32 to index
      %get3A_363 = tpu.vector_load %arg6[%get3A_362] {strides = array<i32>} : memref<16384xi32, #tpu.memory_space<vmem>>, vector<16xi32>,
      %gather3A = tpu.vector_load_idx %arg5[%get3A_293] : memref<100000xf32, #tpu.memory_space<vmem>>[vector<16xi32>], vector<16xf32>,
      %gather3A_364 = tpu.vector_load_idx %arg5[%get3A_303] : memref<100000xf32, #tpu.memory_space<vmem>>[vector<16xi32>], vector<16xf32>,
      %gather3A_365 = tpu.vector_load_idx %arg5[%get3A_313] : memref<100000xf32, #tpu.memory_space<vmem>>[vector<16xi32>], vector<16xf32>,
      %gather3A_366 = tpu.vector_load_idx %arg5[%get3A_323] : memref<100000xf32, #tpu.memory_space<vmem>>[vector<16xi32>], vector<16xf32>,
      %gather3A_367 = tpu.vector_load_idx %arg5[%get3A_333] : memref<100000xf32, #tpu.memory_space<vmem>>[vector<16xi32>], vector<16xf32>,
      %gather3A_368 = tpu.vector_load_idx %arg5[%get3A_343] : memref<100000xf32, #tpu.memory_space<vmem>>[vector<16xi32>], vector<16xf32>,
      %gather3A_369 = tpu.vector_load_idx %arg5[%get3A_353] : memref<100000xf32, #tpu.memory_space<vmem>>[vector<16xi32>], vector<16xf32>,
      %gather3A_370 = tpu.vector_load_idx %arg5[%get3A_363] : memref<100000xf32, #tpu.memory_space<vmem>>[vector<16xi32>], vector<16xf32>,
      %mul3A_371 = arith.constant 8 : i32
      %mul3A_372 = arith.muli %add3A_284, %mul3A_371 : i32
      %add3A_373 = arith.constant 0 : i32
      %add3A_374 = arith.addi %mul3A_372, %add3A_373 : i32
      %mul3A_375 = arith.constant 16 : i32
      %mul3A_376 = arith.muli %add3A_374, %mul3A_375 : i32
      %swap3A = arith.constant 1 : i32
      %swap3A_377 = arith.index_cast %swap3A : i32 to index
      %swap3A_378 = arith.index_cast %mul3A_376 : i32 to index
      %swap3A_379 = tpu.vector_load %arg7[%swap3A_377, %swap3A_378] {strides = array<i32>} : memref<2x4096xf32, #tpu.memory_space<vmem>>, vector<16xf32>,
      tpu.vector_store %arg7[%swap3A_377, %swap3A_378], %gather3A {strides = array<i32>} : memref<2x4096xf32, #tpu.memory_space<vmem>>, vector<16xf32>,
      %mul3A_380 = arith.constant 8 : i32
      %mul3A_381 = arith.muli %add3A_284, %mul3A_380 : i32
      %add3A_382 = arith.constant 1 : i32
      %add3A_383 = arith.addi %mul3A_381, %add3A_382 : i32
      %mul3A_384 = arith.constant 16 : i32
      %mul3A_385 = arith.muli %add3A_383, %mul3A_384 : i32
      %swap3A_386 = arith.constant 1 : i32
      %swap3A_387 = arith.index_cast %swap3A_386 : i32 to index
      %swap3A_388 = arith.index_cast %mul3A_385 : i32 to index
      %swap3A_389 = tpu.vector_load %arg7[%swap3A_387, %swap3A_388] {strides = array<i32>} : memref<2x4096xf32, #tpu.memory_space<vmem>>, vector<16xf32>,
      tpu.vector_store %arg7[%swap3A_387, %swap3A_388], %gather3A_364 {strides = array<i32>} : memref<2x4096xf32, #tpu.memory_space<vmem>>, vector<16xf32>,
      %mul3A_390 = arith.constant 8 : i32
      %mul3A_391 = arith.muli %add3A_284, %mul3A_390 : i32
      %add3A_392 = arith.constant 2 : i32
      %add3A_393 = arith.addi %mul3A_391, %add3A_392 : i32
      %mul3A_394 = arith.constant 16 : i32
      %mul3A_395 = arith.muli %add3A_393, %mul3A_394 : i32
      %swap3A_396 = arith.constant 1 : i32
      %swap3A_397 = arith.index_cast %swap3A_396 : i32 to index
      %swap3A_398 = arith.index_cast %mul3A_395 : i32 to index
      %swap3A_399 = tpu.vector_load %arg7[%swap3A_397, %swap3A_398] {strides = array<i32>} : memref<2x4096xf32, #tpu.memory_space<vmem>>, vector<16xf32>,
      tpu.vector_store %arg7[%swap3A_397, %swap3A_398], %gather3A_365 {strides = array<i32>} : memref<2x4096xf32, #tpu.memory_space<vmem>>, vector<16xf32>,
      %mul3A_400 = arith.constant 8 : i32
      %mul3A_401 = arith.muli %add3A_284, %mul3A_400 : i32
      %add3A_402 = arith.constant 3 : i32
      %add3A_403 = arith.addi %mul3A_401, %add3A_402 : i32
      %mul3A_404 = arith.constant 16 : i32
      %mul3A_405 = arith.muli %add3A_403, %mul3A_404 : i32
      %swap3A_406 = arith.constant 1 : i32
      %swap3A_407 = arith.index_cast %swap3A_406 : i32 to index
      %swap3A_408 = arith.index_cast %mul3A_405 : i32 to index
      %swap3A_409 = tpu.vector_load %arg7[%swap3A_407, %swap3A_408] {strides = array<i32>} : memref<2x4096xf32, #tpu.memory_space<vmem>>, vector<16xf32>,
      tpu.vector_store %arg7[%swap3A_407, %swap3A_408], %gather3A_366 {strides = array<i32>} : memref<2x4096xf32, #tpu.memory_space<vmem>>, vector<16xf32>,
      %mul3A_410 = arith.constant 8 : i32
      %mul3A_411 = arith.muli %add3A_284, %mul3A_410 : i32
      %add3A_412 = arith.constant 4 : i32
      %add3A_413 = arith.addi %mul3A_411, %add3A_412 : i32
      %mul3A_414 = arith.constant 16 : i32
      %mul3A_415 = arith.muli %add3A_413, %mul3A_414 : i32
      %swap3A_416 = arith.constant 1 : i32
      %swap3A_417 = arith.index_cast %swap3A_416 : i32 to index
      %swap3A_418 = arith.index_cast %mul3A_415 : i32 to index
      %swap3A_419 = tpu.vector_load %arg7[%swap3A_417, %swap3A_418] {strides = array<i32>} : memref<2x4096xf32, #tpu.memory_space<vmem>>, vector<16xf32>,
      tpu.vector_store %arg7[%swap3A_417, %swap3A_418], %gather3A_367 {strides = array<i32>} : memref<2x4096xf32, #tpu.memory_space<vmem>>, vector<16xf32>,
      %mul3A_420 = arith.constant 8 : i32
      %mul3A_421 = arith.muli %add3A_284, %mul3A_420 : i32
      %add3A_422 = arith.constant 5 : i32
      %add3A_423 = arith.addi %mul3A_421, %add3A_422 : i32
      %mul3A_424 = arith.constant 16 : i32
      %mul3A_425 = arith.muli %add3A_423, %mul3A_424 : i32
      %swap3A_426 = arith.constant 1 : i32
      %swap3A_427 = arith.index_cast %swap3A_426 : i32 to index
      %swap3A_428 = arith.index_cast %mul3A_425 : i32 to index
      %swap3A_429 = tpu.vector_load %arg7[%swap3A_427, %swap3A_428] {strides = array<i32>} : memref<2x4096xf32, #tpu.memory_space<vmem>>, vector<16xf32>,
      tpu.vector_store %arg7[%swap3A_427, %swap3A_428], %gather3A_368 {strides = array<i32>} : memref<2x4096xf32, #tpu.memory_space<vmem>>, vector<16xf32>,
      %mul3A_430 = arith.constant 8 : i32
      %mul3A_431 = arith.muli %add3A_284, %mul3A_430 : i32
      %add3A_432 = arith.constant 6 : i32
      %add3A_433 = arith.addi %mul3A_431, %add3A_432 : i32
      %mul3A_434 = arith.constant 16 : i32
      %mul3A_435 = arith.muli %add3A_433, %mul3A_434 : i32
      %swap3A_436 = arith.constant 1 : i32
      %swap3A_437 = arith.index_cast %swap3A_436 : i32 to index
      %swap3A_438 = arith.index_cast %mul3A_435 : i32 to index
      %swap3A_439 = tpu.vector_load %arg7[%swap3A_437, %swap3A_438] {strides = array<i32>} : memref<2x4096xf32, #tpu.memory_space<vmem>>, vector<16xf32>,
      tpu.vector_store %arg7[%swap3A_437, %swap3A_438], %gather3A_369 {strides = array<i32>} : memref<2x4096xf32, #tpu.memory_space<vmem>>, vector<16xf32>,
      %mul3A_440 = arith.constant 8 : i32
      %mul3A_441 = arith.muli %add3A_284, %mul3A_440 : i32
      %add3A_442 = arith.constant 7 : i32
      %add3A_443 = arith.addi %mul3A_441, %add3A_442 : i32
      %mul3A_444 = arith.constant 16 : i32
      %mul3A_445 = arith.muli %add3A_443, %mul3A_444 : i32
      %swap3A_446 = arith.constant 1 : i32
      %swap3A_447 = arith.index_cast %swap3A_446 : i32 to index
      %swap3A_448 = arith.index_cast %mul3A_445 : i32 to index
      %swap3A_449 = tpu.vector_load %arg7[%swap3A_447, %swap3A_448] {strides = array<i32>} : memref<2x4096xf32, #tpu.memory_space<vmem>>, vector<16xf32>,
      tpu.vector_store %arg7[%swap3A_447, %swap3A_448], %gather3A_370 {strides = array<i32>} : memref<2x4096xf32, #tpu.memory_space<vmem>>, vector<16xf32>,
    }
    %scan3A_98 = arith.constant 32 : i32
    %dma_start3A_99 = arith.constant 1 : i32
    %dma_start3A_100 = arith.constant 0 : i32
    %dma_start3A_101 = tpu.memref_slice %arg7[%dma_start3A_99, %dma_start3A_100] : memref<2x4096xf32, #tpu.memory_space<vmem>> -> memref<1x4096xf32, #tpu.memory_space<vmem>>
    %dma_start3A_102 = tpu.memref_squeeze %dma_start3A_101 : memref<1x4096xf32, #tpu.memory_space<vmem>> -> memref<4096xf32, #tpu.memory_space<vmem>>
    %dma_start3A_103 = arith.constant 12288 : i32
    %dma_start3A_104 = tpu.memref_slice %arg4[%add3A_4, %dma_start3A_103] : memref<64x16384xf32, #tpu.memory_space<hbm>> -> memref<1x4096xf32, #tpu.memory_space<hbm>>
    %dma_start3A_105 = tpu.memref_squeeze %dma_start3A_104 : memref<1x4096xf32, #tpu.memory_space<hbm>> -> memref<4096xf32, #tpu.memory_space<hbm>>
    %dma_start3A_106 = arith.constant 12288 : i32
    %dma_start3A_107 = tpu.memref_slice %arg4[%add3A_4, %dma_start3A_106] : memref<64x16384xf32, #tpu.memory_space<hbm>> -> memref<1x4096xf32, #tpu.memory_space<hbm>>
    %dma_start3A_108 = tpu.memref_squeeze %dma_start3A_107 : memref<1x4096xf32, #tpu.memory_space<hbm>> -> memref<4096xf32, #tpu.memory_space<hbm>>
    %dma_start3A_109 = arith.constant 0 : i32
    %dma_start3A_110 = tpu.memref_slice %arg7[%dma_start3A_99, %dma_start3A_109] : memref<2x4096xf32, #tpu.memory_space<vmem>> -> memref<1x4096xf32, #tpu.memory_space<vmem>>
    %dma_start3A_111 = tpu.memref_squeeze %dma_start3A_110 : memref<1x4096xf32, #tpu.memory_space<vmem>> -> memref<4096xf32, #tpu.memory_space<vmem>>
    tpu.enqueue_dma source(%dma_start3A_111 : memref<4096xf32, #tpu.memory_space<vmem>>) target(%dma_start3A_108 : memref<4096xf32, #tpu.memory_space<hbm>>) target_semaphore(%arg10 : memref<!tpu.dma_semaphore, #tpu.memory_space<semaphore_mem>>)
    %mul3A_112 = arith.constant 2 : i32
    %mul3A_113 = arith.muli %add3A, %mul3A_112 : i32
    %add3A_114 = arith.constant 1 : i32
    %add3A_115 = arith.addi %mul3A_113, %add3A_114 : i32
    %dma_start3A_116 = arith.constant 0 : i32
    %dma_start3A_117 = tpu.memref_slice %arg3[%add3A_115, %dma_start3A_116] : memref<64x100000xf32, #tpu.memory_space<hbm>> -> memref<1x100000xf32, #tpu.memory_space<hbm>>
    %dma_start3A_118 = tpu.memref_squeeze %dma_start3A_117 : memref<1x100000xf32, #tpu.memory_space<hbm>> -> memref<100000xf32, #tpu.memory_space<hbm>>
    %dma_start3A_119 = arith.constant 0 : i32
    %dma_start3A_120 = tpu.memref_slice %arg3[%add3A_115, %dma_start3A_119] : memref<64x100000xf32, #tpu.memory_space<hbm>> -> memref<1x100000xf32, #tpu.memory_space<hbm>>
    %dma_start3A_121 = tpu.memref_squeeze %dma_start3A_120 : memref<1x100000xf32, #tpu.memory_space<hbm>> -> memref<100000xf32, #tpu.memory_space<hbm>>
    tpu.enqueue_dma source(%dma_start3A_121 : memref<100000xf32, #tpu.memory_space<hbm>>) target(%arg5 : memref<100000xf32, #tpu.memory_space<vmem>>) target_semaphore(%arg9 : memref<!tpu.dma_semaphore, #tpu.memory_space<semaphore_mem>>)
    %dma_wait3A_122 = arith.constant 0 : i32
    %dma_wait3A_123 = tpu.memref_slice %arg3[%add3A_115, %dma_wait3A_122] : memref<64x100000xf32, #tpu.memory_space<hbm>> -> memref<1x100000xf32, #tpu.memory_space<hbm>>
    %dma_wait3A_124 = tpu.memref_squeeze %dma_wait3A_123 : memref<1x100000xf32, #tpu.memory_space<hbm>> -> memref<100000xf32, #tpu.memory_space<hbm>>
    %dma_wait3A_125 = arith.constant 0 : i32
    %dma_wait3A_126 = tpu.memref_slice %arg3[%add3A_115, %dma_wait3A_125] : memref<64x100000xf32, #tpu.memory_space<hbm>> -> memref<1x100000xf32, #tpu.memory_space<hbm>>
    %dma_wait3A_127 = tpu.memref_squeeze %dma_wait3A_126 : memref<1x100000xf32, #tpu.memory_space<hbm>> -> memref<100000xf32, #tpu.memory_space<hbm>>
    tpu.wait_dma2 semaphore(%arg9 : memref<!tpu.dma_semaphore, #tpu.memory_space<semaphore_mem>>) src(%dma_wait3A_127 : memref<100000xf32, #tpu.memory_space<hbm>>) dst(%arg5 : memref<100000xf32, #tpu.memory_space<vmem>>)
    %dma_wait3A_128 = arith.constant 0 : i32
    %dma_wait3A_129 = arith.constant 0 : i32
    %dma_wait3A_130 = tpu.memref_slice %arg7[%dma_wait3A_128, %dma_wait3A_129] : memref<2x4096xf32, #tpu.memory_space<vmem>> -> memref<1x4096xf32, #tpu.memory_space<vmem>>
    %dma_wait3A_131 = tpu.memref_squeeze %dma_wait3A_130 : memref<1x4096xf32, #tpu.memory_space<vmem>> -> memref<4096xf32, #tpu.memory_space<vmem>>
    %dma_wait3A_132 = arith.constant 0 : i32
    %dma_wait3A_133 = tpu.memref_slice %arg4[%add3A_115, %dma_wait3A_132] : memref<64x16384xf32, #tpu.memory_space<hbm>> -> memref<1x4096xf32, #tpu.memory_space<hbm>>
    %dma_wait3A_134 = tpu.memref_squeeze %dma_wait3A_133 : memref<1x4096xf32, #tpu.memory_space<hbm>> -> memref<4096xf32, #tpu.memory_space<hbm>>
    %dma_wait3A_135 = arith.constant 0 : i32
    %dma_wait3A_136 = tpu.memref_slice %arg4[%add3A_115, %dma_wait3A_135] : memref<64x16384xf32, #tpu.memory_space<hbm>> -> memref<1x4096xf32, #tpu.memory_space<hbm>>
    %dma_wait3A_137 = tpu.memref_squeeze %dma_wait3A_136 : memref<1x4096xf32, #tpu.memory_space<hbm>> -> memref<4096xf32, #tpu.memory_space<hbm>>
    %dma_wait3A_138 = arith.constant 0 : i32
    %dma_wait3A_139 = tpu.memref_slice %arg7[%dma_wait3A_128, %dma_wait3A_138] : memref<2x4096xf32, #tpu.memory_space<vmem>> -> memref<1x4096xf32, #tpu.memory_space<vmem>>
    %dma_wait3A_140 = tpu.memref_squeeze %dma_wait3A_139 : memref<1x4096xf32, #tpu.memory_space<vmem>> -> memref<4096xf32, #tpu.memory_space<vmem>>
    tpu.wait_dma2 semaphore(%arg10 : memref<!tpu.dma_semaphore, #tpu.memory_space<semaphore_mem>>) src(%dma_wait3A_140 : memref<4096xf32, #tpu.memory_space<vmem>>) dst(%dma_wait3A_137 : memref<4096xf32, #tpu.memory_space<hbm>>)
    %scan3A_141 = arith.constant 0 : i32
    %scan3A_142 = arith.constant 32 : i32
    %scan3A_143 = arith.addi %scan3A_141, %scan3A_142 : i32
    %scan3A_144 = arith.constant 1 : i32
    scf.for %scan3A_280 = %scan3A_141 to %scan3A_143 step %scan3A_144  : i32 {
      %mul3A_281 = arith.constant 1 : i32
      %mul3A_282 = arith.muli %scan3A_280, %mul3A_281 : i32
      %add3A_283 = arith.constant 0 : i32
      %add3A_284 = arith.addi %add3A_283, %mul3A_282 : i32
      %mul3A_285 = arith.constant 8 : i32
      %mul3A_286 = arith.muli %add3A_284, %mul3A_285 : i32
      %add3A_287 = arith.constant 0 : i32
      %add3A_288 = arith.addi %mul3A_286, %add3A_287 : i32
      %mul3A_289 = arith.constant 16 : i32
      %mul3A_290 = arith.muli %add3A_288, %mul3A_289 : i32
      %add3A_291 = arith.constant 0 : i32
      %add3A_292 = arith.addi %add3A_291, %mul3A_290 : i32
      %get3A = arith.index_cast %add3A_292 : i32 to index
      %get3A_293 = tpu.vector_load %arg6[%get3A] {strides = array<i32>} : memref<16384xi32, #tpu.memory_space<vmem>>, vector<16xi32>,
      %mul3A_294 = arith.constant 8 : i32
      %mul3A_295 = arith.muli %add3A_284, %mul3A_294 : i32
      %add3A_296 = arith.constant 1 : i32
      %add3A_297 = arith.addi %mul3A_295, %add3A_296 : i32
      %mul3A_298 = arith.constant 16 : i32
      %mul3A_299 = arith.muli %add3A_297, %mul3A_298 : i32
      %add3A_300 = arith.constant 0 : i32
      %add3A_301 = arith.addi %add3A_300, %mul3A_299 : i32
      %get3A_302 = arith.index_cast %add3A_301 : i32 to index
      %get3A_303 = tpu.vector_load %arg6[%get3A_302] {strides = array<i32>} : memref<16384xi32, #tpu.memory_space<vmem>>, vector<16xi32>,
      %mul3A_304 = arith.constant 8 : i32
      %mul3A_305 = arith.muli %add3A_284, %mul3A_304 : i32
      %add3A_306 = arith.constant 2 : i32
      %add3A_307 = arith.addi %mul3A_305, %add3A_306 : i32
      %mul3A_308 = arith.constant 16 : i32
      %mul3A_309 = arith.muli %add3A_307, %mul3A_308 : i32
      %add3A_310 = arith.constant 0 : i32
      %add3A_311 = arith.addi %add3A_310, %mul3A_309 : i32
      %get3A_312 = arith.index_cast %add3A_311 : i32 to index
      %get3A_313 = tpu.vector_load %arg6[%get3A_312] {strides = array<i32>} : memref<16384xi32, #tpu.memory_space<vmem>>, vector<16xi32>,
      %mul3A_314 = arith.constant 8 : i32
      %mul3A_315 = arith.muli %add3A_284, %mul3A_314 : i32
      %add3A_316 = arith.constant 3 : i32
      %add3A_317 = arith.addi %mul3A_315, %add3A_316 : i32
      %mul3A_318 = arith.constant 16 : i32
      %mul3A_319 = arith.muli %add3A_317, %mul3A_318 : i32
      %add3A_320 = arith.constant 0 : i32
      %add3A_321 = arith.addi %add3A_320, %mul3A_319 : i32
      %get3A_322 = arith.index_cast %add3A_321 : i32 to index
      %get3A_323 = tpu.vector_load %arg6[%get3A_322] {strides = array<i32>} : memref<16384xi32, #tpu.memory_space<vmem>>, vector<16xi32>,
      %mul3A_324 = arith.constant 8 : i32
      %mul3A_325 = arith.muli %add3A_284, %mul3A_324 : i32
      %add3A_326 = arith.constant 4 : i32
      %add3A_327 = arith.addi %mul3A_325, %add3A_326 : i32
      %mul3A_328 = arith.constant 16 : i32
      %mul3A_329 = arith.muli %add3A_327, %mul3A_328 : i32
      %add3A_330 = arith.constant 0 : i32
      %add3A_331 = arith.addi %add3A_330, %mul3A_329 : i32
      %get3A_332 = arith.index_cast %add3A_331 : i32 to index
      %get3A_333 = tpu.vector_load %arg6[%get3A_332] {strides = array<i32>} : memref<16384xi32, #tpu.memory_space<vmem>>, vector<16xi32>,
      %mul3A_334 = arith.constant 8 : i32
      %mul3A_335 = arith.muli %add3A_284, %mul3A_334 : i32
      %add3A_336 = arith.constant 5 : i32
      %add3A_337 = arith.addi %mul3A_335, %add3A_336 : i32
      %mul3A_338 = arith.constant 16 : i32
      %mul3A_339 = arith.muli %add3A_337, %mul3A_338 : i32
      %add3A_340 = arith.constant 0 : i32
      %add3A_341 = arith.addi %add3A_340, %mul3A_339 : i32
      %get3A_342 = arith.index_cast %add3A_341 : i32 to index
      %get3A_343 = tpu.vector_load %arg6[%get3A_342] {strides = array<i32>} : memref<16384xi32, #tpu.memory_space<vmem>>, vector<16xi32>,
      %mul3A_344 = arith.constant 8 : i32
      %mul3A_345 = arith.muli %add3A_284, %mul3A_344 : i32
      %add3A_346 = arith.constant 6 : i32
      %add3A_347 = arith.addi %mul3A_345, %add3A_346 : i32
      %mul3A_348 = arith.constant 16 : i32
      %mul3A_349 = arith.muli %add3A_347, %mul3A_348 : i32
      %add3A_350 = arith.constant 0 : i32
      %add3A_351 = arith.addi %add3A_350, %mul3A_349 : i32
      %get3A_352 = arith.index_cast %add3A_351 : i32 to index
      %get3A_353 = tpu.vector_load %arg6[%get3A_352] {strides = array<i32>} : memref<16384xi32, #tpu.memory_space<vmem>>, vector<16xi32>,
      %mul3A_354 = arith.constant 8 : i32
      %mul3A_355 = arith.muli %add3A_284, %mul3A_354 : i32
      %add3A_356 = arith.constant 7 : i32
      %add3A_357 = arith.addi %mul3A_355, %add3A_356 : i32
      %mul3A_358 = arith.constant 16 : i32
      %mul3A_359 = arith.muli %add3A_357, %mul3A_358 : i32
      %add3A_360 = arith.constant 0 : i32
      %add3A_361 = arith.addi %add3A_360, %mul3A_359 : i32
      %get3A_362 = arith.index_cast %add3A_361 : i32 to index
      %get3A_363 = tpu.vector_load %arg6[%get3A_362] {strides = array<i32>} : memref<16384xi32, #tpu.memory_space<vmem>>, vector<16xi32>,
      %gather3A = tpu.vector_load_idx %arg5[%get3A_293] : memref<100000xf32, #tpu.memory_space<vmem>>[vector<16xi32>], vector<16xf32>,
      %gather3A_364 = tpu.vector_load_idx %arg5[%get3A_303] : memref<100000xf32, #tpu.memory_space<vmem>>[vector<16xi32>], vector<16xf32>,
      %gather3A_365 = tpu.vector_load_idx %arg5[%get3A_313] : memref<100000xf32, #tpu.memory_space<vmem>>[vector<16xi32>], vector<16xf32>,
      %gather3A_366 = tpu.vector_load_idx %arg5[%get3A_323] : memref<100000xf32, #tpu.memory_space<vmem>>[vector<16xi32>], vector<16xf32>,
      %gather3A_367 = tpu.vector_load_idx %arg5[%get3A_333] : memref<100000xf32, #tpu.memory_space<vmem>>[vector<16xi32>], vector<16xf32>,
      %gather3A_368 = tpu.vector_load_idx %arg5[%get3A_343] : memref<100000xf32, #tpu.memory_space<vmem>>[vector<16xi32>], vector<16xf32>,
      %gather3A_369 = tpu.vector_load_idx %arg5[%get3A_353] : memref<100000xf32, #tpu.memory_space<vmem>>[vector<16xi32>], vector<16xf32>,
      %gather3A_370 = tpu.vector_load_idx %arg5[%get3A_363] : memref<100000xf32, #tpu.memory_space<vmem>>[vector<16xi32>], vector<16xf32>,
      %mul3A_371 = arith.constant 8 : i32
      %mul3A_372 = arith.muli %add3A_284, %mul3A_371 : i32
      %add3A_373 = arith.constant 0 : i32
      %add3A_374 = arith.addi %mul3A_372, %add3A_373 : i32
      %mul3A_375 = arith.constant 16 : i32
      %mul3A_376 = arith.muli %add3A_374, %mul3A_375 : i32
      %swap3A = arith.constant 0 : i32
      %swap3A_377 = arith.index_cast %swap3A : i32 to index
      %swap3A_378 = arith.index_cast %mul3A_376 : i32 to index
      %swap3A_379 = tpu.vector_load %arg7[%swap3A_377, %swap3A_378] {strides = array<i32>} : memref<2x4096xf32, #tpu.memory_space<vmem>>, vector<16xf32>,
      tpu.vector_store %arg7[%swap3A_377, %swap3A_378], %gather3A {strides = array<i32>} : memref<2x4096xf32, #tpu.memory_space<vmem>>, vector<16xf32>,
      %mul3A_380 = arith.constant 8 : i32
      %mul3A_381 = arith.muli %add3A_284, %mul3A_380 : i32
      %add3A_382 = arith.constant 1 : i32
      %add3A_383 = arith.addi %mul3A_381, %add3A_382 : i32
      %mul3A_384 = arith.constant 16 : i32
      %mul3A_385 = arith.muli %add3A_383, %mul3A_384 : i32
      %swap3A_386 = arith.constant 0 : i32
      %swap3A_387 = arith.index_cast %swap3A_386 : i32 to index
      %swap3A_388 = arith.index_cast %mul3A_385 : i32 to index
      %swap3A_389 = tpu.vector_load %arg7[%swap3A_387, %swap3A_388] {strides = array<i32>} : memref<2x4096xf32, #tpu.memory_space<vmem>>, vector<16xf32>,
      tpu.vector_store %arg7[%swap3A_387, %swap3A_388], %gather3A_364 {strides = array<i32>} : memref<2x4096xf32, #tpu.memory_space<vmem>>, vector<16xf32>,
      %mul3A_390 = arith.constant 8 : i32
      %mul3A_391 = arith.muli %add3A_284, %mul3A_390 : i32
      %add3A_392 = arith.constant 2 : i32
      %add3A_393 = arith.addi %mul3A_391, %add3A_392 : i32
      %mul3A_394 = arith.constant 16 : i32
      %mul3A_395 = arith.muli %add3A_393, %mul3A_394 : i32
      %swap3A_396 = arith.constant 0 : i32
      %swap3A_397 = arith.index_cast %swap3A_396 : i32 to index
      %swap3A_398 = arith.index_cast %mul3A_395 : i32 to index
      %swap3A_399 = tpu.vector_load %arg7[%swap3A_397, %swap3A_398] {strides = array<i32>} : memref<2x4096xf32, #tpu.memory_space<vmem>>, vector<16xf32>,
      tpu.vector_store %arg7[%swap3A_397, %swap3A_398], %gather3A_365 {strides = array<i32>} : memref<2x4096xf32, #tpu.memory_space<vmem>>, vector<16xf32>,
      %mul3A_400 = arith.constant 8 : i32
      %mul3A_401 = arith.muli %add3A_284, %mul3A_400 : i32
      %add3A_402 = arith.constant 3 : i32
      %add3A_403 = arith.addi %mul3A_401, %add3A_402 : i32
      %mul3A_404 = arith.constant 16 : i32
      %mul3A_405 = arith.muli %add3A_403, %mul3A_404 : i32
      %swap3A_406 = arith.constant 0 : i32
      %swap3A_407 = arith.index_cast %swap3A_406 : i32 to index
      %swap3A_408 = arith.index_cast %mul3A_405 : i32 to index
      %swap3A_409 = tpu.vector_load %arg7[%swap3A_407, %swap3A_408] {strides = array<i32>} : memref<2x4096xf32, #tpu.memory_space<vmem>>, vector<16xf32>,
      tpu.vector_store %arg7[%swap3A_407, %swap3A_408], %gather3A_366 {strides = array<i32>} : memref<2x4096xf32, #tpu.memory_space<vmem>>, vector<16xf32>,
      %mul3A_410 = arith.constant 8 : i32
      %mul3A_411 = arith.muli %add3A_284, %mul3A_410 : i32
      %add3A_412 = arith.constant 4 : i32
      %add3A_413 = arith.addi %mul3A_411, %add3A_412 : i32
      %mul3A_414 = arith.constant 16 : i32
      %mul3A_415 = arith.muli %add3A_413, %mul3A_414 : i32
      %swap3A_416 = arith.constant 0 : i32
      %swap3A_417 = arith.index_cast %swap3A_416 : i32 to index
      %swap3A_418 = arith.index_cast %mul3A_415 : i32 to index
      %swap3A_419 = tpu.vector_load %arg7[%swap3A_417, %swap3A_418] {strides = array<i32>} : memref<2x4096xf32, #tpu.memory_space<vmem>>, vector<16xf32>,
      tpu.vector_store %arg7[%swap3A_417, %swap3A_418], %gather3A_367 {strides = array<i32>} : memref<2x4096xf32, #tpu.memory_space<vmem>>, vector<16xf32>,
      %mul3A_420 = arith.constant 8 : i32
      %mul3A_421 = arith.muli %add3A_284, %mul3A_420 : i32
      %add3A_422 = arith.constant 5 : i32
      %add3A_423 = arith.addi %mul3A_421, %add3A_422 : i32
      %mul3A_424 = arith.constant 16 : i32
      %mul3A_425 = arith.muli %add3A_423, %mul3A_424 : i32
      %swap3A_426 = arith.constant 0 : i32
      %swap3A_427 = arith.index_cast %swap3A_426 : i32 to index
      %swap3A_428 = arith.index_cast %mul3A_425 : i32 to index
      %swap3A_429 = tpu.vector_load %arg7[%swap3A_427, %swap3A_428] {strides = array<i32>} : memref<2x4096xf32, #tpu.memory_space<vmem>>, vector<16xf32>,
      tpu.vector_store %arg7[%swap3A_427, %swap3A_428], %gather3A_368 {strides = array<i32>} : memref<2x4096xf32, #tpu.memory_space<vmem>>, vector<16xf32>,
      %mul3A_430 = arith.constant 8 : i32
      %mul3A_431 = arith.muli %add3A_284, %mul3A_430 : i32
      %add3A_432 = arith.constant 6 : i32
      %add3A_433 = arith.addi %mul3A_431, %add3A_432 : i32
      %mul3A_434 = arith.constant 16 : i32
      %mul3A_435 = arith.muli %add3A_433, %mul3A_434 : i32
      %swap3A_436 = arith.constant 0 : i32
      %swap3A_437 = arith.index_cast %swap3A_436 : i32 to index
      %swap3A_438 = arith.index_cast %mul3A_435 : i32 to index
      %swap3A_439 = tpu.vector_load %arg7[%swap3A_437, %swap3A_438] {strides = array<i32>} : memref<2x4096xf32, #tpu.memory_space<vmem>>, vector<16xf32>,
      tpu.vector_store %arg7[%swap3A_437, %swap3A_438], %gather3A_369 {strides = array<i32>} : memref<2x4096xf32, #tpu.memory_space<vmem>>, vector<16xf32>,
      %mul3A_440 = arith.constant 8 : i32
      %mul3A_441 = arith.muli %add3A_284, %mul3A_440 : i32
      %add3A_442 = arith.constant 7 : i32
      %add3A_443 = arith.addi %mul3A_441, %add3A_442 : i32
      %mul3A_444 = arith.constant 16 : i32
      %mul3A_445 = arith.muli %add3A_443, %mul3A_444 : i32
      %swap3A_446 = arith.constant 0 : i32
      %swap3A_447 = arith.index_cast %swap3A_446 : i32 to index
      %swap3A_448 = arith.index_cast %mul3A_445 : i32 to index
      %swap3A_449 = tpu.vector_load %arg7[%swap3A_447, %swap3A_448] {strides = array<i32>} : memref<2x4096xf32, #tpu.memory_space<vmem>>, vector<16xf32>,
      tpu.vector_store %arg7[%swap3A_447, %swap3A_448], %gather3A_370 {strides = array<i32>} : memref<2x4096xf32, #tpu.memory_space<vmem>>, vector<16xf32>,
    }
    %scan3A_145 = arith.constant 32 : i32
    %dma_start3A_146 = arith.constant 0 : i32
    %dma_start3A_147 = arith.constant 0 : i32
    %dma_start3A_148 = tpu.memref_slice %arg7[%dma_start3A_146, %dma_start3A_147] : memref<2x4096xf32, #tpu.memory_space<vmem>> -> memref<1x4096xf32, #tpu.memory_space<vmem>>
    %dma_start3A_149 = tpu.memref_squeeze %dma_start3A_148 : memref<1x4096xf32, #tpu.memory_space<vmem>> -> memref<4096xf32, #tpu.memory_space<vmem>>
    %dma_start3A_150 = arith.constant 0 : i32
    %dma_start3A_151 = tpu.memref_slice %arg4[%add3A_115, %dma_start3A_150] : memref<64x16384xf32, #tpu.memory_space<hbm>> -> memref<1x4096xf32, #tpu.memory_space<hbm>>
    %dma_start3A_152 = tpu.memref_squeeze %dma_start3A_151 : memref<1x4096xf32, #tpu.memory_space<hbm>> -> memref<4096xf32, #tpu.memory_space<hbm>>
    %dma_start3A_153 = arith.constant 0 : i32
    %dma_start3A_154 = tpu.memref_slice %arg4[%add3A_115, %dma_start3A_153] : memref<64x16384xf32, #tpu.memory_space<hbm>> -> memref<1x4096xf32, #tpu.memory_space<hbm>>
    %dma_start3A_155 = tpu.memref_squeeze %dma_start3A_154 : memref<1x4096xf32, #tpu.memory_space<hbm>> -> memref<4096xf32, #tpu.memory_space<hbm>>
    %dma_start3A_156 = arith.constant 0 : i32
    %dma_start3A_157 = tpu.memref_slice %arg7[%dma_start3A_146, %dma_start3A_156] : memref<2x4096xf32, #tpu.memory_space<vmem>> -> memref<1x4096xf32, #tpu.memory_space<vmem>>
    %dma_start3A_158 = tpu.memref_squeeze %dma_start3A_157 : memref<1x4096xf32, #tpu.memory_space<vmem>> -> memref<4096xf32, #tpu.memory_space<vmem>>
    tpu.enqueue_dma source(%dma_start3A_158 : memref<4096xf32, #tpu.memory_space<vmem>>) target(%dma_start3A_155 : memref<4096xf32, #tpu.memory_space<hbm>>) target_semaphore(%arg10 : memref<!tpu.dma_semaphore, #tpu.memory_space<semaphore_mem>>)
    %dma_wait3A_159 = arith.constant 1 : i32
    %dma_wait3A_160 = arith.constant 0 : i32
    %dma_wait3A_161 = tpu.memref_slice %arg7[%dma_wait3A_159, %dma_wait3A_160] : memref<2x4096xf32, #tpu.memory_space<vmem>> -> memref<1x4096xf32, #tpu.memory_space<vmem>>
    %dma_wait3A_162 = tpu.memref_squeeze %dma_wait3A_161 : memref<1x4096xf32, #tpu.memory_space<vmem>> -> memref<4096xf32, #tpu.memory_space<vmem>>
    %dma_wait3A_163 = arith.constant 0 : i32
    %dma_wait3A_164 = tpu.memref_slice %arg4[%add3A_115, %dma_wait3A_163] : memref<64x16384xf32, #tpu.memory_space<hbm>> -> memref<1x4096xf32, #tpu.memory_space<hbm>>
    %dma_wait3A_165 = tpu.memref_squeeze %dma_wait3A_164 : memref<1x4096xf32, #tpu.memory_space<hbm>> -> memref<4096xf32, #tpu.memory_space<hbm>>
    %dma_wait3A_166 = arith.constant 0 : i32
    %dma_wait3A_167 = tpu.memref_slice %arg4[%add3A_115, %dma_wait3A_166] : memref<64x16384xf32, #tpu.memory_space<hbm>> -> memref<1x4096xf32, #tpu.memory_space<hbm>>
    %dma_wait3A_168 = tpu.memref_squeeze %dma_wait3A_167 : memref<1x4096xf32, #tpu.memory_space<hbm>> -> memref<4096xf32, #tpu.memory_space<hbm>>
    %dma_wait3A_169 = arith.constant 0 : i32
    %dma_wait3A_170 = tpu.memref_slice %arg7[%dma_wait3A_159, %dma_wait3A_169] : memref<2x4096xf32, #tpu.memory_space<vmem>> -> memref<1x4096xf32, #tpu.memory_space<vmem>>
    %dma_wait3A_171 = tpu.memref_squeeze %dma_wait3A_170 : memref<1x4096xf32, #tpu.memory_space<vmem>> -> memref<4096xf32, #tpu.memory_space<vmem>>
    tpu.wait_dma2 semaphore(%arg10 : memref<!tpu.dma_semaphore, #tpu.memory_space<semaphore_mem>>) src(%dma_wait3A_171 : memref<4096xf32, #tpu.memory_space<vmem>>) dst(%dma_wait3A_168 : memref<4096xf32, #tpu.memory_space<hbm>>)
    %scan3A_172 = arith.constant 0 : i32
    %scan3A_173 = arith.constant 32 : i32
    %scan3A_174 = arith.addi %scan3A_172, %scan3A_173 : i32
    %scan3A_175 = arith.constant 1 : i32
    scf.for %scan3A_280 = %scan3A_172 to %scan3A_174 step %scan3A_175  : i32 {
      %mul3A_281 = arith.constant 1 : i32
      %mul3A_282 = arith.muli %scan3A_280, %mul3A_281 : i32
      %add3A_283 = arith.constant 0 : i32
      %add3A_284 = arith.addi %add3A_283, %mul3A_282 : i32
      %mul3A_285 = arith.constant 8 : i32
      %mul3A_286 = arith.muli %add3A_284, %mul3A_285 : i32
      %add3A_287 = arith.constant 0 : i32
      %add3A_288 = arith.addi %mul3A_286, %add3A_287 : i32
      %mul3A_289 = arith.constant 16 : i32
      %mul3A_290 = arith.muli %add3A_288, %mul3A_289 : i32
      %add3A_291 = arith.constant 4096 : i32
      %add3A_292 = arith.addi %add3A_291, %mul3A_290 : i32
      %get3A = arith.index_cast %add3A_292 : i32 to index
      %get3A_293 = tpu.vector_load %arg6[%get3A] {strides = array<i32>} : memref<16384xi32, #tpu.memory_space<vmem>>, vector<16xi32>,
      %mul3A_294 = arith.constant 8 : i32
      %mul3A_295 = arith.muli %add3A_284, %mul3A_294 : i32
      %add3A_296 = arith.constant 1 : i32
      %add3A_297 = arith.addi %mul3A_295, %add3A_296 : i32
      %mul3A_298 = arith.constant 16 : i32
      %mul3A_299 = arith.muli %add3A_297, %mul3A_298 : i32
      %add3A_300 = arith.constant 4096 : i32
      %add3A_301 = arith.addi %add3A_300, %mul3A_299 : i32
      %get3A_302 = arith.index_cast %add3A_301 : i32 to index
      %get3A_303 = tpu.vector_load %arg6[%get3A_302] {strides = array<i32>} : memref<16384xi32, #tpu.memory_space<vmem>>, vector<16xi32>,
      %mul3A_304 = arith.constant 8 : i32
      %mul3A_305 = arith.muli %add3A_284, %mul3A_304 : i32
      %add3A_306 = arith.constant 2 : i32
      %add3A_307 = arith.addi %mul3A_305, %add3A_306 : i32
      %mul3A_308 = arith.constant 16 : i32
      %mul3A_309 = arith.muli %add3A_307, %mul3A_308 : i32
      %add3A_310 = arith.constant 4096 : i32
      %add3A_311 = arith.addi %add3A_310, %mul3A_309 : i32
      %get3A_312 = arith.index_cast %add3A_311 : i32 to index
      %get3A_313 = tpu.vector_load %arg6[%get3A_312] {strides = array<i32>} : memref<16384xi32, #tpu.memory_space<vmem>>, vector<16xi32>,
      %mul3A_314 = arith.constant 8 : i32
      %mul3A_315 = arith.muli %add3A_284, %mul3A_314 : i32
      %add3A_316 = arith.constant 3 : i32
      %add3A_317 = arith.addi %mul3A_315, %add3A_316 : i32
      %mul3A_318 = arith.constant 16 : i32
      %mul3A_319 = arith.muli %add3A_317, %mul3A_318 : i32
      %add3A_320 = arith.constant 4096 : i32
      %add3A_321 = arith.addi %add3A_320, %mul3A_319 : i32
      %get3A_322 = arith.index_cast %add3A_321 : i32 to index
      %get3A_323 = tpu.vector_load %arg6[%get3A_322] {strides = array<i32>} : memref<16384xi32, #tpu.memory_space<vmem>>, vector<16xi32>,
      %mul3A_324 = arith.constant 8 : i32
      %mul3A_325 = arith.muli %add3A_284, %mul3A_324 : i32
      %add3A_326 = arith.constant 4 : i32
      %add3A_327 = arith.addi %mul3A_325, %add3A_326 : i32
      %mul3A_328 = arith.constant 16 : i32
      %mul3A_329 = arith.muli %add3A_327, %mul3A_328 : i32
      %add3A_330 = arith.constant 4096 : i32
      %add3A_331 = arith.addi %add3A_330, %mul3A_329 : i32
      %get3A_332 = arith.index_cast %add3A_331 : i32 to index
      %get3A_333 = tpu.vector_load %arg6[%get3A_332] {strides = array<i32>} : memref<16384xi32, #tpu.memory_space<vmem>>, vector<16xi32>,
      %mul3A_334 = arith.constant 8 : i32
      %mul3A_335 = arith.muli %add3A_284, %mul3A_334 : i32
      %add3A_336 = arith.constant 5 : i32
      %add3A_337 = arith.addi %mul3A_335, %add3A_336 : i32
      %mul3A_338 = arith.constant 16 : i32
      %mul3A_339 = arith.muli %add3A_337, %mul3A_338 : i32
      %add3A_340 = arith.constant 4096 : i32
      %add3A_341 = arith.addi %add3A_340, %mul3A_339 : i32
      %get3A_342 = arith.index_cast %add3A_341 : i32 to index
      %get3A_343 = tpu.vector_load %arg6[%get3A_342] {strides = array<i32>} : memref<16384xi32, #tpu.memory_space<vmem>>, vector<16xi32>,
      %mul3A_344 = arith.constant 8 : i32
      %mul3A_345 = arith.muli %add3A_284, %mul3A_344 : i32
      %add3A_346 = arith.constant 6 : i32
      %add3A_347 = arith.addi %mul3A_345, %add3A_346 : i32
      %mul3A_348 = arith.constant 16 : i32
      %mul3A_349 = arith.muli %add3A_347, %mul3A_348 : i32
      %add3A_350 = arith.constant 4096 : i32
      %add3A_351 = arith.addi %add3A_350, %mul3A_349 : i32
      %get3A_352 = arith.index_cast %add3A_351 : i32 to index
      %get3A_353 = tpu.vector_load %arg6[%get3A_352] {strides = array<i32>} : memref<16384xi32, #tpu.memory_space<vmem>>, vector<16xi32>,
      %mul3A_354 = arith.constant 8 : i32
      %mul3A_355 = arith.muli %add3A_284, %mul3A_354 : i32
      %add3A_356 = arith.constant 7 : i32
      %add3A_357 = arith.addi %mul3A_355, %add3A_356 : i32
      %mul3A_358 = arith.constant 16 : i32
      %mul3A_359 = arith.muli %add3A_357, %mul3A_358 : i32
      %add3A_360 = arith.constant 4096 : i32
      %add3A_361 = arith.addi %add3A_360, %mul3A_359 : i32
      %get3A_362 = arith.index_cast %add3A_361 : i32 to index
      %get3A_363 = tpu.vector_load %arg6[%get3A_362] {strides = array<i32>} : memref<16384xi32, #tpu.memory_space<vmem>>, vector<16xi32>,
      %gather3A = tpu.vector_load_idx %arg5[%get3A_293] : memref<100000xf32, #tpu.memory_space<vmem>>[vector<16xi32>], vector<16xf32>,
      %gather3A_364 = tpu.vector_load_idx %arg5[%get3A_303] : memref<100000xf32, #tpu.memory_space<vmem>>[vector<16xi32>], vector<16xf32>,
      %gather3A_365 = tpu.vector_load_idx %arg5[%get3A_313] : memref<100000xf32, #tpu.memory_space<vmem>>[vector<16xi32>], vector<16xf32>,
      %gather3A_366 = tpu.vector_load_idx %arg5[%get3A_323] : memref<100000xf32, #tpu.memory_space<vmem>>[vector<16xi32>], vector<16xf32>,
      %gather3A_367 = tpu.vector_load_idx %arg5[%get3A_333] : memref<100000xf32, #tpu.memory_space<vmem>>[vector<16xi32>], vector<16xf32>,
      %gather3A_368 = tpu.vector_load_idx %arg5[%get3A_343] : memref<100000xf32, #tpu.memory_space<vmem>>[vector<16xi32>], vector<16xf32>,
      %gather3A_369 = tpu.vector_load_idx %arg5[%get3A_353] : memref<100000xf32, #tpu.memory_space<vmem>>[vector<16xi32>], vector<16xf32>,
      %gather3A_370 = tpu.vector_load_idx %arg5[%get3A_363] : memref<100000xf32, #tpu.memory_space<vmem>>[vector<16xi32>], vector<16xf32>,
      %mul3A_371 = arith.constant 8 : i32
      %mul3A_372 = arith.muli %add3A_284, %mul3A_371 : i32
      %add3A_373 = arith.constant 0 : i32
      %add3A_374 = arith.addi %mul3A_372, %add3A_373 : i32
      %mul3A_375 = arith.constant 16 : i32
      %mul3A_376 = arith.muli %add3A_374, %mul3A_375 : i32
      %swap3A = arith.constant 1 : i32
      %swap3A_377 = arith.index_cast %swap3A : i32 to index
      %swap3A_378 = arith.index_cast %mul3A_376 : i32 to index
      %swap3A_379 = tpu.vector_load %arg7[%swap3A_377, %swap3A_378] {strides = array<i32>} : memref<2x4096xf32, #tpu.memory_space<vmem>>, vector<16xf32>,
      tpu.vector_store %arg7[%swap3A_377, %swap3A_378], %gather3A {strides = array<i32>} : memref<2x4096xf32, #tpu.memory_space<vmem>>, vector<16xf32>,
      %mul3A_380 = arith.constant 8 : i32
      %mul3A_381 = arith.muli %add3A_284, %mul3A_380 : i32
      %add3A_382 = arith.constant 1 : i32
      %add3A_383 = arith.addi %mul3A_381, %add3A_382 : i32
      %mul3A_384 = arith.constant 16 : i32
      %mul3A_385 = arith.muli %add3A_383, %mul3A_384 : i32
      %swap3A_386 = arith.constant 1 : i32
      %swap3A_387 = arith.index_cast %swap3A_386 : i32 to index
      %swap3A_388 = arith.index_cast %mul3A_385 : i32 to index
      %swap3A_389 = tpu.vector_load %arg7[%swap3A_387, %swap3A_388] {strides = array<i32>} : memref<2x4096xf32, #tpu.memory_space<vmem>>, vector<16xf32>,
      tpu.vector_store %arg7[%swap3A_387, %swap3A_388], %gather3A_364 {strides = array<i32>} : memref<2x4096xf32, #tpu.memory_space<vmem>>, vector<16xf32>,
      %mul3A_390 = arith.constant 8 : i32
      %mul3A_391 = arith.muli %add3A_284, %mul3A_390 : i32
      %add3A_392 = arith.constant 2 : i32
      %add3A_393 = arith.addi %mul3A_391, %add3A_392 : i32
      %mul3A_394 = arith.constant 16 : i32
      %mul3A_395 = arith.muli %add3A_393, %mul3A_394 : i32
      %swap3A_396 = arith.constant 1 : i32
      %swap3A_397 = arith.index_cast %swap3A_396 : i32 to index
      %swap3A_398 = arith.index_cast %mul3A_395 : i32 to index
      %swap3A_399 = tpu.vector_load %arg7[%swap3A_397, %swap3A_398] {strides = array<i32>} : memref<2x4096xf32, #tpu.memory_space<vmem>>, vector<16xf32>,
      tpu.vector_store %arg7[%swap3A_397, %swap3A_398], %gather3A_365 {strides = array<i32>} : memref<2x4096xf32, #tpu.memory_space<vmem>>, vector<16xf32>,
      %mul3A_400 = arith.constant 8 : i32
      %mul3A_401 = arith.muli %add3A_284, %mul3A_400 : i32
      %add3A_402 = arith.constant 3 : i32
      %add3A_403 = arith.addi %mul3A_401, %add3A_402 : i32
      %mul3A_404 = arith.constant 16 : i32
      %mul3A_405 = arith.muli %add3A_403, %mul3A_404 : i32
      %swap3A_406 = arith.constant 1 : i32
      %swap3A_407 = arith.index_cast %swap3A_406 : i32 to index
      %swap3A_408 = arith.index_cast %mul3A_405 : i32 to index
      %swap3A_409 = tpu.vector_load %arg7[%swap3A_407, %swap3A_408] {strides = array<i32>} : memref<2x4096xf32, #tpu.memory_space<vmem>>, vector<16xf32>,
      tpu.vector_store %arg7[%swap3A_407, %swap3A_408], %gather3A_366 {strides = array<i32>} : memref<2x4096xf32, #tpu.memory_space<vmem>>, vector<16xf32>,
      %mul3A_410 = arith.constant 8 : i32
      %mul3A_411 = arith.muli %add3A_284, %mul3A_410 : i32
      %add3A_412 = arith.constant 4 : i32
      %add3A_413 = arith.addi %mul3A_411, %add3A_412 : i32
      %mul3A_414 = arith.constant 16 : i32
      %mul3A_415 = arith.muli %add3A_413, %mul3A_414 : i32
      %swap3A_416 = arith.constant 1 : i32
      %swap3A_417 = arith.index_cast %swap3A_416 : i32 to index
      %swap3A_418 = arith.index_cast %mul3A_415 : i32 to index
      %swap3A_419 = tpu.vector_load %arg7[%swap3A_417, %swap3A_418] {strides = array<i32>} : memref<2x4096xf32, #tpu.memory_space<vmem>>, vector<16xf32>,
      tpu.vector_store %arg7[%swap3A_417, %swap3A_418], %gather3A_367 {strides = array<i32>} : memref<2x4096xf32, #tpu.memory_space<vmem>>, vector<16xf32>,
      %mul3A_420 = arith.constant 8 : i32
      %mul3A_421 = arith.muli %add3A_284, %mul3A_420 : i32
      %add3A_422 = arith.constant 5 : i32
      %add3A_423 = arith.addi %mul3A_421, %add3A_422 : i32
      %mul3A_424 = arith.constant 16 : i32
      %mul3A_425 = arith.muli %add3A_423, %mul3A_424 : i32
      %swap3A_426 = arith.constant 1 : i32
      %swap3A_427 = arith.index_cast %swap3A_426 : i32 to index
      %swap3A_428 = arith.index_cast %mul3A_425 : i32 to index
      %swap3A_429 = tpu.vector_load %arg7[%swap3A_427, %swap3A_428] {strides = array<i32>} : memref<2x4096xf32, #tpu.memory_space<vmem>>, vector<16xf32>,
      tpu.vector_store %arg7[%swap3A_427, %swap3A_428], %gather3A_368 {strides = array<i32>} : memref<2x4096xf32, #tpu.memory_space<vmem>>, vector<16xf32>,
      %mul3A_430 = arith.constant 8 : i32
      %mul3A_431 = arith.muli %add3A_284, %mul3A_430 : i32
      %add3A_432 = arith.constant 6 : i32
      %add3A_433 = arith.addi %mul3A_431, %add3A_432 : i32
      %mul3A_434 = arith.constant 16 : i32
      %mul3A_435 = arith.muli %add3A_433, %mul3A_434 : i32
      %swap3A_436 = arith.constant 1 : i32
      %swap3A_437 = arith.index_cast %swap3A_436 : i32 to index
      %swap3A_438 = arith.index_cast %mul3A_435 : i32 to index
      %swap3A_439 = tpu.vector_load %arg7[%swap3A_437, %swap3A_438] {strides = array<i32>} : memref<2x4096xf32, #tpu.memory_space<vmem>>, vector<16xf32>,
      tpu.vector_store %arg7[%swap3A_437, %swap3A_438], %gather3A_369 {strides = array<i32>} : memref<2x4096xf32, #tpu.memory_space<vmem>>, vector<16xf32>,
      %mul3A_440 = arith.constant 8 : i32
      %mul3A_441 = arith.muli %add3A_284, %mul3A_440 : i32
      %add3A_442 = arith.constant 7 : i32
      %add3A_443 = arith.addi %mul3A_441, %add3A_442 : i32
      %mul3A_444 = arith.constant 16 : i32
      %mul3A_445 = arith.muli %add3A_443, %mul3A_444 : i32
      %swap3A_446 = arith.constant 1 : i32
      %swap3A_447 = arith.index_cast %swap3A_446 : i32 to index
      %swap3A_448 = arith.index_cast %mul3A_445 : i32 to index
      %swap3A_449 = tpu.vector_load %arg7[%swap3A_447, %swap3A_448] {strides = array<i32>} : memref<2x4096xf32, #tpu.memory_space<vmem>>, vector<16xf32>,
      tpu.vector_store %arg7[%swap3A_447, %swap3A_448], %gather3A_370 {strides = array<i32>} : memref<2x4096xf32, #tpu.memory_space<vmem>>, vector<16xf32>,
    }
    %scan3A_176 = arith.constant 32 : i32
    %dma_start3A_177 = arith.constant 1 : i32
    %dma_start3A_178 = arith.constant 0 : i32
    %dma_start3A_179 = tpu.memref_slice %arg7[%dma_start3A_177, %dma_start3A_178] : memref<2x4096xf32, #tpu.memory_space<vmem>> -> memref<1x4096xf32, #tpu.memory_space<vmem>>
    %dma_start3A_180 = tpu.memref_squeeze %dma_start3A_179 : memref<1x4096xf32, #tpu.memory_space<vmem>> -> memref<4096xf32, #tpu.memory_space<vmem>>
    %dma_start3A_181 = arith.constant 4096 : i32
    %dma_start3A_182 = tpu.memref_slice %arg4[%add3A_115, %dma_start3A_181] : memref<64x16384xf32, #tpu.memory_space<hbm>> -> memref<1x4096xf32, #tpu.memory_space<hbm>>
    %dma_start3A_183 = tpu.memref_squeeze %dma_start3A_182 : memref<1x4096xf32, #tpu.memory_space<hbm>> -> memref<4096xf32, #tpu.memory_space<hbm>>
    %dma_start3A_184 = arith.constant 4096 : i32
    %dma_start3A_185 = tpu.memref_slice %arg4[%add3A_115, %dma_start3A_184] : memref<64x16384xf32, #tpu.memory_space<hbm>> -> memref<1x4096xf32, #tpu.memory_space<hbm>>
    %dma_start3A_186 = tpu.memref_squeeze %dma_start3A_185 : memref<1x4096xf32, #tpu.memory_space<hbm>> -> memref<4096xf32, #tpu.memory_space<hbm>>
    %dma_start3A_187 = arith.constant 0 : i32
    %dma_start3A_188 = tpu.memref_slice %arg7[%dma_start3A_177, %dma_start3A_187] : memref<2x4096xf32, #tpu.memory_space<vmem>> -> memref<1x4096xf32, #tpu.memory_space<vmem>>
    %dma_start3A_189 = tpu.memref_squeeze %dma_start3A_188 : memref<1x4096xf32, #tpu.memory_space<vmem>> -> memref<4096xf32, #tpu.memory_space<vmem>>
    tpu.enqueue_dma source(%dma_start3A_189 : memref<4096xf32, #tpu.memory_space<vmem>>) target(%dma_start3A_186 : memref<4096xf32, #tpu.memory_space<hbm>>) target_semaphore(%arg10 : memref<!tpu.dma_semaphore, #tpu.memory_space<semaphore_mem>>)
    %dma_wait3A_190 = arith.constant 0 : i32
    %dma_wait3A_191 = arith.constant 0 : i32
    %dma_wait3A_192 = tpu.memref_slice %arg7[%dma_wait3A_190, %dma_wait3A_191] : memref<2x4096xf32, #tpu.memory_space<vmem>> -> memref<1x4096xf32, #tpu.memory_space<vmem>>
    %dma_wait3A_193 = tpu.memref_squeeze %dma_wait3A_192 : memref<1x4096xf32, #tpu.memory_space<vmem>> -> memref<4096xf32, #tpu.memory_space<vmem>>
    %dma_wait3A_194 = arith.constant 0 : i32
    %dma_wait3A_195 = tpu.memref_slice %arg4[%add3A_115, %dma_wait3A_194] : memref<64x16384xf32, #tpu.memory_space<hbm>> -> memref<1x4096xf32, #tpu.memory_space<hbm>>
    %dma_wait3A_196 = tpu.memref_squeeze %dma_wait3A_195 : memref<1x4096xf32, #tpu.memory_space<hbm>> -> memref<4096xf32, #tpu.memory_space<hbm>>
    %dma_wait3A_197 = arith.constant 0 : i32
    %dma_wait3A_198 = tpu.memref_slice %arg4[%add3A_115, %dma_wait3A_197] : memref<64x16384xf32, #tpu.memory_space<hbm>> -> memref<1x4096xf32, #tpu.memory_space<hbm>>
    %dma_wait3A_199 = tpu.memref_squeeze %dma_wait3A_198 : memref<1x4096xf32, #tpu.memory_space<hbm>> -> memref<4096xf32, #tpu.memory_space<hbm>>
    %dma_wait3A_200 = arith.constant 0 : i32
    %dma_wait3A_201 = tpu.memref_slice %arg7[%dma_wait3A_190, %dma_wait3A_200] : memref<2x4096xf32, #tpu.memory_space<vmem>> -> memref<1x4096xf32, #tpu.memory_space<vmem>>
    %dma_wait3A_202 = tpu.memref_squeeze %dma_wait3A_201 : memref<1x4096xf32, #tpu.memory_space<vmem>> -> memref<4096xf32, #tpu.memory_space<vmem>>
    tpu.wait_dma2 semaphore(%arg10 : memref<!tpu.dma_semaphore, #tpu.memory_space<semaphore_mem>>) src(%dma_wait3A_202 : memref<4096xf32, #tpu.memory_space<vmem>>) dst(%dma_wait3A_199 : memref<4096xf32, #tpu.memory_space<hbm>>)
    %scan3A_203 = arith.constant 0 : i32
    %scan3A_204 = arith.constant 32 : i32
    %scan3A_205 = arith.addi %scan3A_203, %scan3A_204 : i32
    %scan3A_206 = arith.constant 1 : i32
    scf.for %scan3A_280 = %scan3A_203 to %scan3A_205 step %scan3A_206  : i32 {
      %mul3A_281 = arith.constant 1 : i32
      %mul3A_282 = arith.muli %scan3A_280, %mul3A_281 : i32
      %add3A_283 = arith.constant 0 : i32
      %add3A_284 = arith.addi %add3A_283, %mul3A_282 : i32
      %mul3A_285 = arith.constant 8 : i32
      %mul3A_286 = arith.muli %add3A_284, %mul3A_285 : i32
      %add3A_287 = arith.constant 0 : i32
      %add3A_288 = arith.addi %mul3A_286, %add3A_287 : i32
      %mul3A_289 = arith.constant 16 : i32
      %mul3A_290 = arith.muli %add3A_288, %mul3A_289 : i32
      %add3A_291 = arith.constant 8192 : i32
      %add3A_292 = arith.addi %add3A_291, %mul3A_290 : i32
      %get3A = arith.index_cast %add3A_292 : i32 to index
      %get3A_293 = tpu.vector_load %arg6[%get3A] {strides = array<i32>} : memref<16384xi32, #tpu.memory_space<vmem>>, vector<16xi32>,
      %mul3A_294 = arith.constant 8 : i32
      %mul3A_295 = arith.muli %add3A_284, %mul3A_294 : i32
      %add3A_296 = arith.constant 1 : i32
      %add3A_297 = arith.addi %mul3A_295, %add3A_296 : i32
      %mul3A_298 = arith.constant 16 : i32
      %mul3A_299 = arith.muli %add3A_297, %mul3A_298 : i32
      %add3A_300 = arith.constant 8192 : i32
      %add3A_301 = arith.addi %add3A_300, %mul3A_299 : i32
      %get3A_302 = arith.index_cast %add3A_301 : i32 to index
      %get3A_303 = tpu.vector_load %arg6[%get3A_302] {strides = array<i32>} : memref<16384xi32, #tpu.memory_space<vmem>>, vector<16xi32>,
      %mul3A_304 = arith.constant 8 : i32
      %mul3A_305 = arith.muli %add3A_284, %mul3A_304 : i32
      %add3A_306 = arith.constant 2 : i32
      %add3A_307 = arith.addi %mul3A_305, %add3A_306 : i32
      %mul3A_308 = arith.constant 16 : i32
      %mul3A_309 = arith.muli %add3A_307, %mul3A_308 : i32
      %add3A_310 = arith.constant 8192 : i32
      %add3A_311 = arith.addi %add3A_310, %mul3A_309 : i32
      %get3A_312 = arith.index_cast %add3A_311 : i32 to index
      %get3A_313 = tpu.vector_load %arg6[%get3A_312] {strides = array<i32>} : memref<16384xi32, #tpu.memory_space<vmem>>, vector<16xi32>,
      %mul3A_314 = arith.constant 8 : i32
      %mul3A_315 = arith.muli %add3A_284, %mul3A_314 : i32
      %add3A_316 = arith.constant 3 : i32
      %add3A_317 = arith.addi %mul3A_315, %add3A_316 : i32
      %mul3A_318 = arith.constant 16 : i32
      %mul3A_319 = arith.muli %add3A_317, %mul3A_318 : i32
      %add3A_320 = arith.constant 8192 : i32
      %add3A_321 = arith.addi %add3A_320, %mul3A_319 : i32
      %get3A_322 = arith.index_cast %add3A_321 : i32 to index
      %get3A_323 = tpu.vector_load %arg6[%get3A_322] {strides = array<i32>} : memref<16384xi32, #tpu.memory_space<vmem>>, vector<16xi32>,
      %mul3A_324 = arith.constant 8 : i32
      %mul3A_325 = arith.muli %add3A_284, %mul3A_324 : i32
      %add3A_326 = arith.constant 4 : i32
      %add3A_327 = arith.addi %mul3A_325, %add3A_326 : i32
      %mul3A_328 = arith.constant 16 : i32
      %mul3A_329 = arith.muli %add3A_327, %mul3A_328 : i32
      %add3A_330 = arith.constant 8192 : i32
      %add3A_331 = arith.addi %add3A_330, %mul3A_329 : i32
      %get3A_332 = arith.index_cast %add3A_331 : i32 to index
      %get3A_333 = tpu.vector_load %arg6[%get3A_332] {strides = array<i32>} : memref<16384xi32, #tpu.memory_space<vmem>>, vector<16xi32>,
      %mul3A_334 = arith.constant 8 : i32
      %mul3A_335 = arith.muli %add3A_284, %mul3A_334 : i32
      %add3A_336 = arith.constant 5 : i32
      %add3A_337 = arith.addi %mul3A_335, %add3A_336 : i32
      %mul3A_338 = arith.constant 16 : i32
      %mul3A_339 = arith.muli %add3A_337, %mul3A_338 : i32
      %add3A_340 = arith.constant 8192 : i32
      %add3A_341 = arith.addi %add3A_340, %mul3A_339 : i32
      %get3A_342 = arith.index_cast %add3A_341 : i32 to index
      %get3A_343 = tpu.vector_load %arg6[%get3A_342] {strides = array<i32>} : memref<16384xi32, #tpu.memory_space<vmem>>, vector<16xi32>,
      %mul3A_344 = arith.constant 8 : i32
      %mul3A_345 = arith.muli %add3A_284, %mul3A_344 : i32
      %add3A_346 = arith.constant 6 : i32
      %add3A_347 = arith.addi %mul3A_345, %add3A_346 : i32
      %mul3A_348 = arith.constant 16 : i32
      %mul3A_349 = arith.muli %add3A_347, %mul3A_348 : i32
      %add3A_350 = arith.constant 8192 : i32
      %add3A_351 = arith.addi %add3A_350, %mul3A_349 : i32
      %get3A_352 = arith.index_cast %add3A_351 : i32 to index
      %get3A_353 = tpu.vector_load %arg6[%get3A_352] {strides = array<i32>} : memref<16384xi32, #tpu.memory_space<vmem>>, vector<16xi32>,
      %mul3A_354 = arith.constant 8 : i32
      %mul3A_355 = arith.muli %add3A_284, %mul3A_354 : i32
      %add3A_356 = arith.constant 7 : i32
      %add3A_357 = arith.addi %mul3A_355, %add3A_356 : i32
      %mul3A_358 = arith.constant 16 : i32
      %mul3A_359 = arith.muli %add3A_357, %mul3A_358 : i32
      %add3A_360 = arith.constant 8192 : i32
      %add3A_361 = arith.addi %add3A_360, %mul3A_359 : i32
      %get3A_362 = arith.index_cast %add3A_361 : i32 to index
      %get3A_363 = tpu.vector_load %arg6[%get3A_362] {strides = array<i32>} : memref<16384xi32, #tpu.memory_space<vmem>>, vector<16xi32>,
      %gather3A = tpu.vector_load_idx %arg5[%get3A_293] : memref<100000xf32, #tpu.memory_space<vmem>>[vector<16xi32>], vector<16xf32>,
      %gather3A_364 = tpu.vector_load_idx %arg5[%get3A_303] : memref<100000xf32, #tpu.memory_space<vmem>>[vector<16xi32>], vector<16xf32>,
      %gather3A_365 = tpu.vector_load_idx %arg5[%get3A_313] : memref<100000xf32, #tpu.memory_space<vmem>>[vector<16xi32>], vector<16xf32>,
      %gather3A_366 = tpu.vector_load_idx %arg5[%get3A_323] : memref<100000xf32, #tpu.memory_space<vmem>>[vector<16xi32>], vector<16xf32>,
      %gather3A_367 = tpu.vector_load_idx %arg5[%get3A_333] : memref<100000xf32, #tpu.memory_space<vmem>>[vector<16xi32>], vector<16xf32>,
      %gather3A_368 = tpu.vector_load_idx %arg5[%get3A_343] : memref<100000xf32, #tpu.memory_space<vmem>>[vector<16xi32>], vector<16xf32>,
      %gather3A_369 = tpu.vector_load_idx %arg5[%get3A_353] : memref<100000xf32, #tpu.memory_space<vmem>>[vector<16xi32>], vector<16xf32>,
      %gather3A_370 = tpu.vector_load_idx %arg5[%get3A_363] : memref<100000xf32, #tpu.memory_space<vmem>>[vector<16xi32>], vector<16xf32>,
      %mul3A_371 = arith.constant 8 : i32
      %mul3A_372 = arith.muli %add3A_284, %mul3A_371 : i32
      %add3A_373 = arith.constant 0 : i32
      %add3A_374 = arith.addi %mul3A_372, %add3A_373 : i32
      %mul3A_375 = arith.constant 16 : i32
      %mul3A_376 = arith.muli %add3A_374, %mul3A_375 : i32
      %swap3A = arith.constant 0 : i32
      %swap3A_377 = arith.index_cast %swap3A : i32 to index
      %swap3A_378 = arith.index_cast %mul3A_376 : i32 to index
      %swap3A_379 = tpu.vector_load %arg7[%swap3A_377, %swap3A_378] {strides = array<i32>} : memref<2x4096xf32, #tpu.memory_space<vmem>>, vector<16xf32>,
      tpu.vector_store %arg7[%swap3A_377, %swap3A_378], %gather3A {strides = array<i32>} : memref<2x4096xf32, #tpu.memory_space<vmem>>, vector<16xf32>,
      %mul3A_380 = arith.constant 8 : i32
      %mul3A_381 = arith.muli %add3A_284, %mul3A_380 : i32
      %add3A_382 = arith.constant 1 : i32
      %add3A_383 = arith.addi %mul3A_381, %add3A_382 : i32
      %mul3A_384 = arith.constant 16 : i32
      %mul3A_385 = arith.muli %add3A_383, %mul3A_384 : i32
      %swap3A_386 = arith.constant 0 : i32
      %swap3A_387 = arith.index_cast %swap3A_386 : i32 to index
      %swap3A_388 = arith.index_cast %mul3A_385 : i32 to index
      %swap3A_389 = tpu.vector_load %arg7[%swap3A_387, %swap3A_388] {strides = array<i32>} : memref<2x4096xf32, #tpu.memory_space<vmem>>, vector<16xf32>,
      tpu.vector_store %arg7[%swap3A_387, %swap3A_388], %gather3A_364 {strides = array<i32>} : memref<2x4096xf32, #tpu.memory_space<vmem>>, vector<16xf32>,
      %mul3A_390 = arith.constant 8 : i32
      %mul3A_391 = arith.muli %add3A_284, %mul3A_390 : i32
      %add3A_392 = arith.constant 2 : i32
      %add3A_393 = arith.addi %mul3A_391, %add3A_392 : i32
      %mul3A_394 = arith.constant 16 : i32
      %mul3A_395 = arith.muli %add3A_393, %mul3A_394 : i32
      %swap3A_396 = arith.constant 0 : i32
      %swap3A_397 = arith.index_cast %swap3A_396 : i32 to index
      %swap3A_398 = arith.index_cast %mul3A_395 : i32 to index
      %swap3A_399 = tpu.vector_load %arg7[%swap3A_397, %swap3A_398] {strides = array<i32>} : memref<2x4096xf32, #tpu.memory_space<vmem>>, vector<16xf32>,
      tpu.vector_store %arg7[%swap3A_397, %swap3A_398], %gather3A_365 {strides = array<i32>} : memref<2x4096xf32, #tpu.memory_space<vmem>>, vector<16xf32>,
      %mul3A_400 = arith.constant 8 : i32
      %mul3A_401 = arith.muli %add3A_284, %mul3A_400 : i32
      %add3A_402 = arith.constant 3 : i32
      %add3A_403 = arith.addi %mul3A_401, %add3A_402 : i32
      %mul3A_404 = arith.constant 16 : i32
      %mul3A_405 = arith.muli %add3A_403, %mul3A_404 : i32
      %swap3A_406 = arith.constant 0 : i32
      %swap3A_407 = arith.index_cast %swap3A_406 : i32 to index
      %swap3A_408 = arith.index_cast %mul3A_405 : i32 to index
      %swap3A_409 = tpu.vector_load %arg7[%swap3A_407, %swap3A_408] {strides = array<i32>} : memref<2x4096xf32, #tpu.memory_space<vmem>>, vector<16xf32>,
      tpu.vector_store %arg7[%swap3A_407, %swap3A_408], %gather3A_366 {strides = array<i32>} : memref<2x4096xf32, #tpu.memory_space<vmem>>, vector<16xf32>,
      %mul3A_410 = arith.constant 8 : i32
      %mul3A_411 = arith.muli %add3A_284, %mul3A_410 : i32
      %add3A_412 = arith.constant 4 : i32
      %add3A_413 = arith.addi %mul3A_411, %add3A_412 : i32
      %mul3A_414 = arith.constant 16 : i32
      %mul3A_415 = arith.muli %add3A_413, %mul3A_414 : i32
      %swap3A_416 = arith.constant 0 : i32
      %swap3A_417 = arith.index_cast %swap3A_416 : i32 to index
      %swap3A_418 = arith.index_cast %mul3A_415 : i32 to index
      %swap3A_419 = tpu.vector_load %arg7[%swap3A_417, %swap3A_418] {strides = array<i32>} : memref<2x4096xf32, #tpu.memory_space<vmem>>, vector<16xf32>,
      tpu.vector_store %arg7[%swap3A_417, %swap3A_418], %gather3A_367 {strides = array<i32>} : memref<2x4096xf32, #tpu.memory_space<vmem>>, vector<16xf32>,
      %mul3A_420 = arith.constant 8 : i32
      %mul3A_421 = arith.muli %add3A_284, %mul3A_420 : i32
      %add3A_422 = arith.constant 5 : i32
      %add3A_423 = arith.addi %mul3A_421, %add3A_422 : i32
      %mul3A_424 = arith.constant 16 : i32
      %mul3A_425 = arith.muli %add3A_423, %mul3A_424 : i32
      %swap3A_426 = arith.constant 0 : i32
      %swap3A_427 = arith.index_cast %swap3A_426 : i32 to index
      %swap3A_428 = arith.index_cast %mul3A_425 : i32 to index
      %swap3A_429 = tpu.vector_load %arg7[%swap3A_427, %swap3A_428] {strides = array<i32>} : memref<2x4096xf32, #tpu.memory_space<vmem>>, vector<16xf32>,
      tpu.vector_store %arg7[%swap3A_427, %swap3A_428], %gather3A_368 {strides = array<i32>} : memref<2x4096xf32, #tpu.memory_space<vmem>>, vector<16xf32>,
      %mul3A_430 = arith.constant 8 : i32
      %mul3A_431 = arith.muli %add3A_284, %mul3A_430 : i32
      %add3A_432 = arith.constant 6 : i32
      %add3A_433 = arith.addi %mul3A_431, %add3A_432 : i32
      %mul3A_434 = arith.constant 16 : i32
      %mul3A_435 = arith.muli %add3A_433, %mul3A_434 : i32
      %swap3A_436 = arith.constant 0 : i32
      %swap3A_437 = arith.index_cast %swap3A_436 : i32 to index
      %swap3A_438 = arith.index_cast %mul3A_435 : i32 to index
      %swap3A_439 = tpu.vector_load %arg7[%swap3A_437, %swap3A_438] {strides = array<i32>} : memref<2x4096xf32, #tpu.memory_space<vmem>>, vector<16xf32>,
      tpu.vector_store %arg7[%swap3A_437, %swap3A_438], %gather3A_369 {strides = array<i32>} : memref<2x4096xf32, #tpu.memory_space<vmem>>, vector<16xf32>,
      %mul3A_440 = arith.constant 8 : i32
      %mul3A_441 = arith.muli %add3A_284, %mul3A_440 : i32
      %add3A_442 = arith.constant 7 : i32
      %add3A_443 = arith.addi %mul3A_441, %add3A_442 : i32
      %mul3A_444 = arith.constant 16 : i32
      %mul3A_445 = arith.muli %add3A_443, %mul3A_444 : i32
      %swap3A_446 = arith.constant 0 : i32
      %swap3A_447 = arith.index_cast %swap3A_446 : i32 to index
      %swap3A_448 = arith.index_cast %mul3A_445 : i32 to index
      %swap3A_449 = tpu.vector_load %arg7[%swap3A_447, %swap3A_448] {strides = array<i32>} : memref<2x4096xf32, #tpu.memory_space<vmem>>, vector<16xf32>,
      tpu.vector_store %arg7[%swap3A_447, %swap3A_448], %gather3A_370 {strides = array<i32>} : memref<2x4096xf32, #tpu.memory_space<vmem>>, vector<16xf32>,
    }
    %scan3A_207 = arith.constant 32 : i32
    %dma_start3A_208 = arith.constant 0 : i32
    %dma_start3A_209 = arith.constant 0 : i32
    %dma_start3A_210 = tpu.memref_slice %arg7[%dma_start3A_208, %dma_start3A_209] : memref<2x4096xf32, #tpu.memory_space<vmem>> -> memref<1x4096xf32, #tpu.memory_space<vmem>>
    %dma_start3A_211 = tpu.memref_squeeze %dma_start3A_210 : memref<1x4096xf32, #tpu.memory_space<vmem>> -> memref<4096xf32, #tpu.memory_space<vmem>>
    %dma_start3A_212 = arith.constant 8192 : i32
    %dma_start3A_213 = tpu.memref_slice %arg4[%add3A_115, %dma_start3A_212] : memref<64x16384xf32, #tpu.memory_space<hbm>> -> memref<1x4096xf32, #tpu.memory_space<hbm>>
    %dma_start3A_214 = tpu.memref_squeeze %dma_start3A_213 : memref<1x4096xf32, #tpu.memory_space<hbm>> -> memref<4096xf32, #tpu.memory_space<hbm>>
    %dma_start3A_215 = arith.constant 8192 : i32
    %dma_start3A_216 = tpu.memref_slice %arg4[%add3A_115, %dma_start3A_215] : memref<64x16384xf32, #tpu.memory_space<hbm>> -> memref<1x4096xf32, #tpu.memory_space<hbm>>
    %dma_start3A_217 = tpu.memref_squeeze %dma_start3A_216 : memref<1x4096xf32, #tpu.memory_space<hbm>> -> memref<4096xf32, #tpu.memory_space<hbm>>
    %dma_start3A_218 = arith.constant 0 : i32
    %dma_start3A_219 = tpu.memref_slice %arg7[%dma_start3A_208, %dma_start3A_218] : memref<2x4096xf32, #tpu.memory_space<vmem>> -> memref<1x4096xf32, #tpu.memory_space<vmem>>
    %dma_start3A_220 = tpu.memref_squeeze %dma_start3A_219 : memref<1x4096xf32, #tpu.memory_space<vmem>> -> memref<4096xf32, #tpu.memory_space<vmem>>
    tpu.enqueue_dma source(%dma_start3A_220 : memref<4096xf32, #tpu.memory_space<vmem>>) target(%dma_start3A_217 : memref<4096xf32, #tpu.memory_space<hbm>>) target_semaphore(%arg10 : memref<!tpu.dma_semaphore, #tpu.memory_space<semaphore_mem>>)
    %dma_wait3A_221 = arith.constant 1 : i32
    %dma_wait3A_222 = arith.constant 0 : i32
    %dma_wait3A_223 = tpu.memref_slice %arg7[%dma_wait3A_221, %dma_wait3A_222] : memref<2x4096xf32, #tpu.memory_space<vmem>> -> memref<1x4096xf32, #tpu.memory_space<vmem>>
    %dma_wait3A_224 = tpu.memref_squeeze %dma_wait3A_223 : memref<1x4096xf32, #tpu.memory_space<vmem>> -> memref<4096xf32, #tpu.memory_space<vmem>>
    %dma_wait3A_225 = arith.constant 0 : i32
    %dma_wait3A_226 = tpu.memref_slice %arg4[%add3A_115, %dma_wait3A_225] : memref<64x16384xf32, #tpu.memory_space<hbm>> -> memref<1x4096xf32, #tpu.memory_space<hbm>>
    %dma_wait3A_227 = tpu.memref_squeeze %dma_wait3A_226 : memref<1x4096xf32, #tpu.memory_space<hbm>> -> memref<4096xf32, #tpu.memory_space<hbm>>
    %dma_wait3A_228 = arith.constant 0 : i32
    %dma_wait3A_229 = tpu.memref_slice %arg4[%add3A_115, %dma_wait3A_228] : memref<64x16384xf32, #tpu.memory_space<hbm>> -> memref<1x4096xf32, #tpu.memory_space<hbm>>
    %dma_wait3A_230 = tpu.memref_squeeze %dma_wait3A_229 : memref<1x4096xf32, #tpu.memory_space<hbm>> -> memref<4096xf32, #tpu.memory_space<hbm>>
    %dma_wait3A_231 = arith.constant 0 : i32
    %dma_wait3A_232 = tpu.memref_slice %arg7[%dma_wait3A_221, %dma_wait3A_231] : memref<2x4096xf32, #tpu.memory_space<vmem>> -> memref<1x4096xf32, #tpu.memory_space<vmem>>
    %dma_wait3A_233 = tpu.memref_squeeze %dma_wait3A_232 : memref<1x4096xf32, #tpu.memory_space<vmem>> -> memref<4096xf32, #tpu.memory_space<vmem>>
    tpu.wait_dma2 semaphore(%arg10 : memref<!tpu.dma_semaphore, #tpu.memory_space<semaphore_mem>>) src(%dma_wait3A_233 : memref<4096xf32, #tpu.memory_space<vmem>>) dst(%dma_wait3A_230 : memref<4096xf32, #tpu.memory_space<hbm>>)
    %scan3A_234 = arith.constant 0 : i32
    %scan3A_235 = arith.constant 32 : i32
    %scan3A_236 = arith.addi %scan3A_234, %scan3A_235 : i32
    %scan3A_237 = arith.constant 1 : i32
    scf.for %scan3A_280 = %scan3A_234 to %scan3A_236 step %scan3A_237  : i32 {
      %mul3A_281 = arith.constant 1 : i32
      %mul3A_282 = arith.muli %scan3A_280, %mul3A_281 : i32
      %add3A_283 = arith.constant 0 : i32
      %add3A_284 = arith.addi %add3A_283, %mul3A_282 : i32
      %mul3A_285 = arith.constant 8 : i32
      %mul3A_286 = arith.muli %add3A_284, %mul3A_285 : i32
      %add3A_287 = arith.constant 0 : i32
      %add3A_288 = arith.addi %mul3A_286, %add3A_287 : i32
      %mul3A_289 = arith.constant 16 : i32
      %mul3A_290 = arith.muli %add3A_288, %mul3A_289 : i32
      %add3A_291 = arith.constant 12288 : i32
      %add3A_292 = arith.addi %add3A_291, %mul3A_290 : i32
      %get3A = arith.index_cast %add3A_292 : i32 to index
      %get3A_293 = tpu.vector_load %arg6[%get3A] {strides = array<i32>} : memref<16384xi32, #tpu.memory_space<vmem>>, vector<16xi32>,
      %mul3A_294 = arith.constant 8 : i32
      %mul3A_295 = arith.muli %add3A_284, %mul3A_294 : i32
      %add3A_296 = arith.constant 1 : i32
      %add3A_297 = arith.addi %mul3A_295, %add3A_296 : i32
      %mul3A_298 = arith.constant 16 : i32
      %mul3A_299 = arith.muli %add3A_297, %mul3A_298 : i32
      %add3A_300 = arith.constant 12288 : i32
      %add3A_301 = arith.addi %add3A_300, %mul3A_299 : i32
      %get3A_302 = arith.index_cast %add3A_301 : i32 to index
      %get3A_303 = tpu.vector_load %arg6[%get3A_302] {strides = array<i32>} : memref<16384xi32, #tpu.memory_space<vmem>>, vector<16xi32>,
      %mul3A_304 = arith.constant 8 : i32
      %mul3A_305 = arith.muli %add3A_284, %mul3A_304 : i32
      %add3A_306 = arith.constant 2 : i32
      %add3A_307 = arith.addi %mul3A_305, %add3A_306 : i32
      %mul3A_308 = arith.constant 16 : i32
      %mul3A_309 = arith.muli %add3A_307, %mul3A_308 : i32
      %add3A_310 = arith.constant 12288 : i32
      %add3A_311 = arith.addi %add3A_310, %mul3A_309 : i32
      %get3A_312 = arith.index_cast %add3A_311 : i32 to index
      %get3A_313 = tpu.vector_load %arg6[%get3A_312] {strides = array<i32>} : memref<16384xi32, #tpu.memory_space<vmem>>, vector<16xi32>,
      %mul3A_314 = arith.constant 8 : i32
      %mul3A_315 = arith.muli %add3A_284, %mul3A_314 : i32
      %add3A_316 = arith.constant 3 : i32
      %add3A_317 = arith.addi %mul3A_315, %add3A_316 : i32
      %mul3A_318 = arith.constant 16 : i32
      %mul3A_319 = arith.muli %add3A_317, %mul3A_318 : i32
      %add3A_320 = arith.constant 12288 : i32
      %add3A_321 = arith.addi %add3A_320, %mul3A_319 : i32
      %get3A_322 = arith.index_cast %add3A_321 : i32 to index
      %get3A_323 = tpu.vector_load %arg6[%get3A_322] {strides = array<i32>} : memref<16384xi32, #tpu.memory_space<vmem>>, vector<16xi32>,
      %mul3A_324 = arith.constant 8 : i32
      %mul3A_325 = arith.muli %add3A_284, %mul3A_324 : i32
      %add3A_326 = arith.constant 4 : i32
      %add3A_327 = arith.addi %mul3A_325, %add3A_326 : i32
      %mul3A_328 = arith.constant 16 : i32
      %mul3A_329 = arith.muli %add3A_327, %mul3A_328 : i32
      %add3A_330 = arith.constant 12288 : i32
      %add3A_331 = arith.addi %add3A_330, %mul3A_329 : i32
      %get3A_332 = arith.index_cast %add3A_331 : i32 to index
      %get3A_333 = tpu.vector_load %arg6[%get3A_332] {strides = array<i32>} : memref<16384xi32, #tpu.memory_space<vmem>>, vector<16xi32>,
      %mul3A_334 = arith.constant 8 : i32
      %mul3A_335 = arith.muli %add3A_284, %mul3A_334 : i32
      %add3A_336 = arith.constant 5 : i32
      %add3A_337 = arith.addi %mul3A_335, %add3A_336 : i32
      %mul3A_338 = arith.constant 16 : i32
      %mul3A_339 = arith.muli %add3A_337, %mul3A_338 : i32
      %add3A_340 = arith.constant 12288 : i32
      %add3A_341 = arith.addi %add3A_340, %mul3A_339 : i32
      %get3A_342 = arith.index_cast %add3A_341 : i32 to index
      %get3A_343 = tpu.vector_load %arg6[%get3A_342] {strides = array<i32>} : memref<16384xi32, #tpu.memory_space<vmem>>, vector<16xi32>,
      %mul3A_344 = arith.constant 8 : i32
      %mul3A_345 = arith.muli %add3A_284, %mul3A_344 : i32
      %add3A_346 = arith.constant 6 : i32
      %add3A_347 = arith.addi %mul3A_345, %add3A_346 : i32
      %mul3A_348 = arith.constant 16 : i32
      %mul3A_349 = arith.muli %add3A_347, %mul3A_348 : i32
      %add3A_350 = arith.constant 12288 : i32
      %add3A_351 = arith.addi %add3A_350, %mul3A_349 : i32
      %get3A_352 = arith.index_cast %add3A_351 : i32 to index
      %get3A_353 = tpu.vector_load %arg6[%get3A_352] {strides = array<i32>} : memref<16384xi32, #tpu.memory_space<vmem>>, vector<16xi32>,
      %mul3A_354 = arith.constant 8 : i32
      %mul3A_355 = arith.muli %add3A_284, %mul3A_354 : i32
      %add3A_356 = arith.constant 7 : i32
      %add3A_357 = arith.addi %mul3A_355, %add3A_356 : i32
      %mul3A_358 = arith.constant 16 : i32
      %mul3A_359 = arith.muli %add3A_357, %mul3A_358 : i32
      %add3A_360 = arith.constant 12288 : i32
      %add3A_361 = arith.addi %add3A_360, %mul3A_359 : i32
      %get3A_362 = arith.index_cast %add3A_361 : i32 to index
      %get3A_363 = tpu.vector_load %arg6[%get3A_362] {strides = array<i32>} : memref<16384xi32, #tpu.memory_space<vmem>>, vector<16xi32>,
      %gather3A = tpu.vector_load_idx %arg5[%get3A_293] : memref<100000xf32, #tpu.memory_space<vmem>>[vector<16xi32>], vector<16xf32>,
      %gather3A_364 = tpu.vector_load_idx %arg5[%get3A_303] : memref<100000xf32, #tpu.memory_space<vmem>>[vector<16xi32>], vector<16xf32>,
      %gather3A_365 = tpu.vector_load_idx %arg5[%get3A_313] : memref<100000xf32, #tpu.memory_space<vmem>>[vector<16xi32>], vector<16xf32>,
      %gather3A_366 = tpu.vector_load_idx %arg5[%get3A_323] : memref<100000xf32, #tpu.memory_space<vmem>>[vector<16xi32>], vector<16xf32>,
      %gather3A_367 = tpu.vector_load_idx %arg5[%get3A_333] : memref<100000xf32, #tpu.memory_space<vmem>>[vector<16xi32>], vector<16xf32>,
      %gather3A_368 = tpu.vector_load_idx %arg5[%get3A_343] : memref<100000xf32, #tpu.memory_space<vmem>>[vector<16xi32>], vector<16xf32>,
      %gather3A_369 = tpu.vector_load_idx %arg5[%get3A_353] : memref<100000xf32, #tpu.memory_space<vmem>>[vector<16xi32>], vector<16xf32>,
      %gather3A_370 = tpu.vector_load_idx %arg5[%get3A_363] : memref<100000xf32, #tpu.memory_space<vmem>>[vector<16xi32>], vector<16xf32>,
      %mul3A_371 = arith.constant 8 : i32
      %mul3A_372 = arith.muli %add3A_284, %mul3A_371 : i32
      %add3A_373 = arith.constant 0 : i32
      %add3A_374 = arith.addi %mul3A_372, %add3A_373 : i32
      %mul3A_375 = arith.constant 16 : i32
      %mul3A_376 = arith.muli %add3A_374, %mul3A_375 : i32
      %swap3A = arith.constant 1 : i32
      %swap3A_377 = arith.index_cast %swap3A : i32 to index
      %swap3A_378 = arith.index_cast %mul3A_376 : i32 to index
      %swap3A_379 = tpu.vector_load %arg7[%swap3A_377, %swap3A_378] {strides = array<i32>} : memref<2x4096xf32, #tpu.memory_space<vmem>>, vector<16xf32>,
      tpu.vector_store %arg7[%swap3A_377, %swap3A_378], %gather3A {strides = array<i32>} : memref<2x4096xf32, #tpu.memory_space<vmem>>, vector<16xf32>,
      %mul3A_380 = arith.constant 8 : i32
      %mul3A_381 = arith.muli %add3A_284, %mul3A_380 : i32
      %add3A_382 = arith.constant 1 : i32
      %add3A_383 = arith.addi %mul3A_381, %add3A_382 : i32
      %mul3A_384 = arith.constant 16 : i32
      %mul3A_385 = arith.muli %add3A_383, %mul3A_384 : i32
      %swap3A_386 = arith.constant 1 : i32
      %swap3A_387 = arith.index_cast %swap3A_386 : i32 to index
      %swap3A_388 = arith.index_cast %mul3A_385 : i32 to index
      %swap3A_389 = tpu.vector_load %arg7[%swap3A_387, %swap3A_388] {strides = array<i32>} : memref<2x4096xf32, #tpu.memory_space<vmem>>, vector<16xf32>,
      tpu.vector_store %arg7[%swap3A_387, %swap3A_388], %gather3A_364 {strides = array<i32>} : memref<2x4096xf32, #tpu.memory_space<vmem>>, vector<16xf32>,
      %mul3A_390 = arith.constant 8 : i32
      %mul3A_391 = arith.muli %add3A_284, %mul3A_390 : i32
      %add3A_392 = arith.constant 2 : i32
      %add3A_393 = arith.addi %mul3A_391, %add3A_392 : i32
      %mul3A_394 = arith.constant 16 : i32
      %mul3A_395 = arith.muli %add3A_393, %mul3A_394 : i32
      %swap3A_396 = arith.constant 1 : i32
      %swap3A_397 = arith.index_cast %swap3A_396 : i32 to index
      %swap3A_398 = arith.index_cast %mul3A_395 : i32 to index
      %swap3A_399 = tpu.vector_load %arg7[%swap3A_397, %swap3A_398] {strides = array<i32>} : memref<2x4096xf32, #tpu.memory_space<vmem>>, vector<16xf32>,
      tpu.vector_store %arg7[%swap3A_397, %swap3A_398], %gather3A_365 {strides = array<i32>} : memref<2x4096xf32, #tpu.memory_space<vmem>>, vector<16xf32>,
      %mul3A_400 = arith.constant 8 : i32
      %mul3A_401 = arith.muli %add3A_284, %mul3A_400 : i32
      %add3A_402 = arith.constant 3 : i32
      %add3A_403 = arith.addi %mul3A_401, %add3A_402 : i32
      %mul3A_404 = arith.constant 16 : i32
      %mul3A_405 = arith.muli %add3A_403, %mul3A_404 : i32
      %swap3A_406 = arith.constant 1 : i32
      %swap3A_407 = arith.index_cast %swap3A_406 : i32 to index
      %swap3A_408 = arith.index_cast %mul3A_405 : i32 to index
      %swap3A_409 = tpu.vector_load %arg7[%swap3A_407, %swap3A_408] {strides = array<i32>} : memref<2x4096xf32, #tpu.memory_space<vmem>>, vector<16xf32>,
      tpu.vector_store %arg7[%swap3A_407, %swap3A_408], %gather3A_366 {strides = array<i32>} : memref<2x4096xf32, #tpu.memory_space<vmem>>, vector<16xf32>,
      %mul3A_410 = arith.constant 8 : i32
      %mul3A_411 = arith.muli %add3A_284, %mul3A_410 : i32
      %add3A_412 = arith.constant 4 : i32
      %add3A_413 = arith.addi %mul3A_411, %add3A_412 : i32
      %mul3A_414 = arith.constant 16 : i32
      %mul3A_415 = arith.muli %add3A_413, %mul3A_414 : i32
      %swap3A_416 = arith.constant 1 : i32
      %swap3A_417 = arith.index_cast %swap3A_416 : i32 to index
      %swap3A_418 = arith.index_cast %mul3A_415 : i32 to index
      %swap3A_419 = tpu.vector_load %arg7[%swap3A_417, %swap3A_418] {strides = array<i32>} : memref<2x4096xf32, #tpu.memory_space<vmem>>, vector<16xf32>,
      tpu.vector_store %arg7[%swap3A_417, %swap3A_418], %gather3A_367 {strides = array<i32>} : memref<2x4096xf32, #tpu.memory_space<vmem>>, vector<16xf32>,
      %mul3A_420 = arith.constant 8 : i32
      %mul3A_421 = arith.muli %add3A_284, %mul3A_420 : i32
      %add3A_422 = arith.constant 5 : i32
      %add3A_423 = arith.addi %mul3A_421, %add3A_422 : i32
      %mul3A_424 = arith.constant 16 : i32
      %mul3A_425 = arith.muli %add3A_423, %mul3A_424 : i32
      %swap3A_426 = arith.constant 1 : i32
      %swap3A_427 = arith.index_cast %swap3A_426 : i32 to index
      %swap3A_428 = arith.index_cast %mul3A_425 : i32 to index
      %swap3A_429 = tpu.vector_load %arg7[%swap3A_427, %swap3A_428] {strides = array<i32>} : memref<2x4096xf32, #tpu.memory_space<vmem>>, vector<16xf32>,
      tpu.vector_store %arg7[%swap3A_427, %swap3A_428], %gather3A_368 {strides = array<i32>} : memref<2x4096xf32, #tpu.memory_space<vmem>>, vector<16xf32>,
      %mul3A_430 = arith.constant 8 : i32
      %mul3A_431 = arith.muli %add3A_284, %mul3A_430 : i32
      %add3A_432 = arith.constant 6 : i32
      %add3A_433 = arith.addi %mul3A_431, %add3A_432 : i32
      %mul3A_434 = arith.constant 16 : i32
      %mul3A_435 = arith.muli %add3A_433, %mul3A_434 : i32
      %swap3A_436 = arith.constant 1 : i32
      %swap3A_437 = arith.index_cast %swap3A_436 : i32 to index
      %swap3A_438 = arith.index_cast %mul3A_435 : i32 to index
      %swap3A_439 = tpu.vector_load %arg7[%swap3A_437, %swap3A_438] {strides = array<i32>} : memref<2x4096xf32, #tpu.memory_space<vmem>>, vector<16xf32>,
      tpu.vector_store %arg7[%swap3A_437, %swap3A_438], %gather3A_369 {strides = array<i32>} : memref<2x4096xf32, #tpu.memory_space<vmem>>, vector<16xf32>,
      %mul3A_440 = arith.constant 8 : i32
      %mul3A_441 = arith.muli %add3A_284, %mul3A_440 : i32
      %add3A_442 = arith.constant 7 : i32
      %add3A_443 = arith.addi %mul3A_441, %add3A_442 : i32
      %mul3A_444 = arith.constant 16 : i32
      %mul3A_445 = arith.muli %add3A_443, %mul3A_444 : i32
      %swap3A_446 = arith.constant 1 : i32
      %swap3A_447 = arith.index_cast %swap3A_446 : i32 to index
      %swap3A_448 = arith.index_cast %mul3A_445 : i32 to index
      %swap3A_449 = tpu.vector_load %arg7[%swap3A_447, %swap3A_448] {strides = array<i32>} : memref<2x4096xf32, #tpu.memory_space<vmem>>, vector<16xf32>,
      tpu.vector_store %arg7[%swap3A_447, %swap3A_448], %gather3A_370 {strides = array<i32>} : memref<2x4096xf32, #tpu.memory_space<vmem>>, vector<16xf32>,
    }
    %scan3A_238 = arith.constant 32 : i32
    %dma_start3A_239 = arith.constant 1 : i32
    %dma_start3A_240 = arith.constant 0 : i32
    %dma_start3A_241 = tpu.memref_slice %arg7[%dma_start3A_239, %dma_start3A_240] : memref<2x4096xf32, #tpu.memory_space<vmem>> -> memref<1x4096xf32, #tpu.memory_space<vmem>>
    %dma_start3A_242 = tpu.memref_squeeze %dma_start3A_241 : memref<1x4096xf32, #tpu.memory_space<vmem>> -> memref<4096xf32, #tpu.memory_space<vmem>>
    %dma_start3A_243 = arith.constant 12288 : i32
    %dma_start3A_244 = tpu.memref_slice %arg4[%add3A_115, %dma_start3A_243] : memref<64x16384xf32, #tpu.memory_space<hbm>> -> memref<1x4096xf32, #tpu.memory_space<hbm>>
    %dma_start3A_245 = tpu.memref_squeeze %dma_start3A_244 : memref<1x4096xf32, #tpu.memory_space<hbm>> -> memref<4096xf32, #tpu.memory_space<hbm>>
    %dma_start3A_246 = arith.constant 12288 : i32
    %dma_start3A_247 = tpu.memref_slice %arg4[%add3A_115, %dma_start3A_246] : memref<64x16384xf32, #tpu.memory_space<hbm>> -> memref<1x4096xf32, #tpu.memory_space<hbm>>
    %dma_start3A_248 = tpu.memref_squeeze %dma_start3A_247 : memref<1x4096xf32, #tpu.memory_space<hbm>> -> memref<4096xf32, #tpu.memory_space<hbm>>
    %dma_start3A_249 = arith.constant 0 : i32
    %dma_start3A_250 = tpu.memref_slice %arg7[%dma_start3A_239, %dma_start3A_249] : memref<2x4096xf32, #tpu.memory_space<vmem>> -> memref<1x4096xf32, #tpu.memory_space<vmem>>
    %dma_start3A_251 = tpu.memref_squeeze %dma_start3A_250 : memref<1x4096xf32, #tpu.memory_space<vmem>> -> memref<4096xf32, #tpu.memory_space<vmem>>
    tpu.enqueue_dma source(%dma_start3A_251 : memref<4096xf32, #tpu.memory_space<vmem>>) target(%dma_start3A_248 : memref<4096xf32, #tpu.memory_space<hbm>>) target_semaphore(%arg10 : memref<!tpu.dma_semaphore, #tpu.memory_space<semaphore_mem>>)
    %dma_wait3A_252 = arith.constant 0 : i32
    %dma_wait3A_253 = arith.constant 0 : i32
    %dma_wait3A_254 = arith.constant 0 : i32
    %dma_wait3A_255 = tpu.memref_slice %arg7[%dma_wait3A_252, %dma_wait3A_254] : memref<2x4096xf32, #tpu.memory_space<vmem>> -> memref<1x4096xf32, #tpu.memory_space<vmem>>
    %dma_wait3A_256 = tpu.memref_squeeze %dma_wait3A_255 : memref<1x4096xf32, #tpu.memory_space<vmem>> -> memref<4096xf32, #tpu.memory_space<vmem>>
    %dma_wait3A_257 = arith.constant 0 : i32
    %dma_wait3A_258 = tpu.memref_slice %arg4[%dma_wait3A_253, %dma_wait3A_257] : memref<64x16384xf32, #tpu.memory_space<hbm>> -> memref<1x4096xf32, #tpu.memory_space<hbm>>
    %dma_wait3A_259 = tpu.memref_squeeze %dma_wait3A_258 : memref<1x4096xf32, #tpu.memory_space<hbm>> -> memref<4096xf32, #tpu.memory_space<hbm>>
    %dma_wait3A_260 = arith.constant 0 : i32
    %dma_wait3A_261 = tpu.memref_slice %arg4[%dma_wait3A_253, %dma_wait3A_260] : memref<64x16384xf32, #tpu.memory_space<hbm>> -> memref<1x4096xf32, #tpu.memory_space<hbm>>
    %dma_wait3A_262 = tpu.memref_squeeze %dma_wait3A_261 : memref<1x4096xf32, #tpu.memory_space<hbm>> -> memref<4096xf32, #tpu.memory_space<hbm>>
    %dma_wait3A_263 = arith.constant 0 : i32
    %dma_wait3A_264 = tpu.memref_slice %arg7[%dma_wait3A_252, %dma_wait3A_263] : memref<2x4096xf32, #tpu.memory_space<vmem>> -> memref<1x4096xf32, #tpu.memory_space<vmem>>
    %dma_wait3A_265 = tpu.memref_squeeze %dma_wait3A_264 : memref<1x4096xf32, #tpu.memory_space<vmem>> -> memref<4096xf32, #tpu.memory_space<vmem>>
    tpu.wait_dma2 semaphore(%arg10 : memref<!tpu.dma_semaphore, #tpu.memory_space<semaphore_mem>>) src(%dma_wait3A_265 : memref<4096xf32, #tpu.memory_space<vmem>>) dst(%dma_wait3A_262 : memref<4096xf32, #tpu.memory_space<hbm>>)
    %dma_wait3A_266 = arith.constant 1 : i32
    %dma_wait3A_267 = arith.constant 0 : i32
    %dma_wait3A_268 = arith.constant 0 : i32
    %dma_wait3A_269 = tpu.memref_slice %arg7[%dma_wait3A_266, %dma_wait3A_268] : memref<2x4096xf32, #tpu.memory_space<vmem>> -> memref<1x4096xf32, #tpu.memory_space<vmem>>
    %dma_wait3A_270 = tpu.memref_squeeze %dma_wait3A_269 : memref<1x4096xf32, #tpu.memory_space<vmem>> -> memref<4096xf32, #tpu.memory_space<vmem>>
    %dma_wait3A_271 = arith.constant 0 : i32
    %dma_wait3A_272 = tpu.memref_slice %arg4[%dma_wait3A_267, %dma_wait3A_271] : memref<64x16384xf32, #tpu.memory_space<hbm>> -> memref<1x4096xf32, #tpu.memory_space<hbm>>
    %dma_wait3A_273 = tpu.memref_squeeze %dma_wait3A_272 : memref<1x4096xf32, #tpu.memory_space<hbm>> -> memref<4096xf32, #tpu.memory_space<hbm>>
    %dma_wait3A_274 = arith.constant 0 : i32
    %dma_wait3A_275 = tpu.memref_slice %arg4[%dma_wait3A_267, %dma_wait3A_274] : memref<64x16384xf32, #tpu.memory_space<hbm>> -> memref<1x4096xf32, #tpu.memory_space<hbm>>
    %dma_wait3A_276 = tpu.memref_squeeze %dma_wait3A_275 : memref<1x4096xf32, #tpu.memory_space<hbm>> -> memref<4096xf32, #tpu.memory_space<hbm>>
    %dma_wait3A_277 = arith.constant 0 : i32
    %dma_wait3A_278 = tpu.memref_slice %arg7[%dma_wait3A_266, %dma_wait3A_277] : memref<2x4096xf32, #tpu.memory_space<vmem>> -> memref<1x4096xf32, #tpu.memory_space<vmem>>
    %dma_wait3A_279 = tpu.memref_squeeze %dma_wait3A_278 : memref<1x4096xf32, #tpu.memory_space<vmem>> -> memref<4096xf32, #tpu.memory_space<vmem>>
    tpu.wait_dma2 semaphore(%arg10 : memref<!tpu.dma_semaphore, #tpu.memory_space<semaphore_mem>>) src(%dma_wait3A_279 : memref<4096xf32, #tpu.memory_space<vmem>>) dst(%dma_wait3A_276 : memref<4096xf32, #tpu.memory_space<hbm>>)
    return
  }
}

</mosaic_0001>

<sc_bundles>
// kernel: kernel.3.cloned.1.call-start
scs
__scs_entry_jumppad:
0x0: {  	(pc) =	sbr.rel $0x88, $3  }
0x1: {  	(tag) =	ssettag $0x0;
	lr =	simm.s32 $0x1  }
0x2: {  	[smem:$0x3F9F] =	sst lr;
	_ =	strace $0xD0000000  }
0x3: {  	_ = 	snop  }
0x4: {  	_ = 	snop  }
0x5: {  	_ = 	snop  }
0x6: {  	_ = 	snop  }
0x7: {  	_ = 	snop  }
__scs_overlays_trampoline_lowered:
0x8: {  	[smem:$0x3FAE] =	sst s0  }
0x9: {  	[smem:$0x3FAF] =	sst s1  }
0xa: {  	[smem:$0x3FB0] =	sst s2  }
0xb: {  	[smem:$0x3FB1] =	sst s3  }
0xc: {  	[smem:$0x3FB2] =	sst s4  }
0xd: {  	[smem:$0x3FB3] =	sst s5  }
0xe: {  	[smem:$0x3FB4] =	sst s6  }
0xf: {  	[smem:$0x3FB5] =	sst s7  }
0x10: {  	[smem:$0x3FB6] =	sst s8  }
0x11: {  	[smem:$0x3FB7] =	sst s9;
	s0 =	simm.s32 @!p0 $0x0  }
0x12: {  	s1 =	sld [smem:$0x3F9D];
	s0 =	simm.s32 @p0 $0x1  }
0x13: {  	[smem:$0x3FB8] =	sst s0;
	s0 =	simm.s32 @!p1 $0x0  }
0x14: {  	s2 =	sld [smem:$0x3F9C];
	s0 =	simm.s32 @p1 $0x1  }
0x15: {  	[smem:$0x3FB9] =	sst s0;
	s0 =	simm.s32 @!p2 $0x0  }
0x16: {  	s3 =	sld [smem:$0x3FDB];
	s0 =	simm.s32 @p2 $0x1  }
0x17: {  	s4 =	simm.s32 $0x1BF5;
	[smem:$0x3FBB] =	sst s0  }
0x18: {  	s0 =	sld [smem:$0x3F9E];
	_ =	swait.ge [sflag:s4], $0x0  }
0x19: {  	s7 =	sld [smem:$0x3F9F]  }
0x1a: {  	s8 =	sadd.s32 $0xFFFFE003, lr  }
0x1b: {  	s9 =	sadd.s32 $0xFFFFFEF7, lr;
	s5 =	simm.s32 $0xFFFFFFFF;
	p2 =	slt.u32 s8, $0xFFFFF086  }
0x1c: {  	p1 =	slt.u32 s9, $0xF7A;
	s5 =	simm.s32 @!p2 $0x0  }
0x1d: {  	s5 =	simm.s32 @p1 $0x1;
	p0 =	seq.s32 s7, s2  }
0x1e: {  	s7 =	smul.u32 @!p0 $0xF7A, s2;
	p2 =	seq.s32 @!p0 s5, $0x0  }
0x1f: {  	s9 =	smul.u32 $0xF7A, s1;
	s8 =	simm.s32 @!p0 $0x1BF5;
	p2 =	por !p2, p0  }
0x20: {  	[sflag:s8] =	ssyncset.s32 @!p0 $0xFFFFF086;
	s6 =	sadd.s32 @!p0 s3, s7;
	s7 =	simm.s32 @!p0 $0x108  }
0x21: {  	s3 =	sadd.s32 s3, s9;
	s6 =	sadd.s32 @!p0 $0x88, s6;
	s7 =	simm.s32 @p2 $0x1082  }
0x22: {  	[simem:s7], [sflag:s8] =	dma.local @!p0 [hbm:s6], $0xF7A  }
0x23: {  	s9 =	sor.u32 $0xD0000000, s2;
	s6 =	simm.s32 $0x108;
	_ =	swait.ge @!p0 [sflag:s8], $0x0  }
0x24: {  	s3 =	sadd.s32 $0x88, s3;
	s6 =	simm.s32 @!p1 $0x1082;
	[sflag:s4] =	ssyncset.s32 $0xFFFFF086  }
0x25: {  	[simem:s6], [sflag:s4] =	dma.local [hbm:s3], $0xF7A  }
0x26: {  	[smem:$0x3F9F] =	sst s1;
	(tag) =	ssettag s2;
	_ =	strace s9  }
0x27: {  	s1 =	sld [smem:$0x3FAF]  }
0x28: {  	s2 =	sld [smem:$0x3FB0]  }
0x29: {  	s4 =	sld [smem:$0x3FB2]  }
0x2a: {  	p0 =	seq.s32 s5, $0x0;
	s5 =	sld [smem:$0x3FB3]  }
0x2b: {  	s6 =	sld [smem:$0x3FB4]  }
0x2c: {  	s7 =	sld [smem:$0x3FB5]  }
0x2d: {  	s3 =	simm.s32 $0x108;
	s8 =	sld [smem:$0x3FB6]  }
0x2e: {  	s3 =	simm.s32 @!p0 $0x1082;
	s9 =	sld [smem:$0x3FB7]  }
0x2f: {  	lr =	sadd.s32 s0, s3;
	s0 =	sld [smem:$0x3FAE]  }
0x30: {  	s3 =	sld [smem:$0x3FB1]  }
0x31: {  	[smem:$0x3FBA] =	sst s10  }
0x32: {  	s10 =	sld [smem:$0x3FB8];
	_ =	sdelay $0x3  }
0x33: {  	p0 =	seq.s32 s10, $0x1;
	s10 =	sld [smem:$0x3FBA];
	_ =	sdelay $0x3  }
0x34: {  	[smem:$0x3FBA] =	sst s10  }
0x35: {  	s10 =	sld [smem:$0x3FB9];
	_ =	sdelay $0x3  }
0x36: {  	p1 =	seq.s32 s10, $0x1;
	s10 =	sld [smem:$0x3FBA];
	_ =	sdelay $0x3  }
0x37: {  	[smem:$0x3FBA] =	sst s10  }
0x38: {  	s10 =	sld [smem:$0x3FBB]  }
0x39: {  	_ = 	snop;
	(pc) =	sbr.ind lr, $3  }
0x3a: {  	_ = 	snop  }
0x3b: {  	_ = 	snop  }
0x3c: {  	p2 =	seq.s32 s10, $0x1;
	s10 =	sld [smem:$0x3FBA]  }
0x3d: {  	_ =	shalt  }
0x3e: {  	_ =	shalt  }
0x3f: {  	_ =	shalt  }
0x40: {  	_ =	shalt  }
0x41: {  	_ =	shalt  }
0x42: {  	_ =	shalt  }
0x43: {  	_ =	shalt  }
0x44: {  	_ =	shalt  }
0x45: {  	_ =	shalt  }
0x46: {  	_ =	shalt  }
0x47: {  	_ =	shalt  }
0x48: {  	_ =	shalt  }
0x49: {  	_ =	shalt  }
0x4a: {  	_ =	shalt  }
0x4b: {  	_ =	shalt  }
0x4c: {  	_ =	shalt  }
0x4d: {  	_ =	shalt  }
0x4e: {  	_ =	shalt  }
0x4f: {  	_ =	shalt  }
0x50: {  	_ =	shalt  }
0x51: {  	_ =	shalt  }
0x52: {  	_ =	shalt  }
0x53: {  	_ =	shalt  }
0x54: {  	_ =	shalt  }
0x55: {  	_ =	shalt  }
0x56: {  	_ =	shalt  }
0x57: {  	_ =	shalt  }
0x58: {  	_ =	shalt  }
0x59: {  	_ =	shalt  }
0x5a: {  	_ =	shalt  }
0x5b: {  	_ =	shalt  }
0x5c: {  	_ =	shalt  }
0x5d: {  	_ =	shalt  }
0x5e: {  	_ =	shalt  }
0x5f: {  	_ =	shalt  }
0x60: {  	_ =	shalt  }
0x61: {  	_ =	shalt  }
0x62: {  	_ =	shalt  }
0x63: {  	_ =	shalt  }
0x64: {  	_ =	shalt  }
0x65: {  	_ =	shalt  }
0x66: {  	_ =	shalt  }
0x67: {  	_ =	shalt  }
0x68: {  	_ =	shalt  }
0x69: {  	_ =	shalt  }
0x6a: {  	_ =	shalt  }
0x6b: {  	_ =	shalt  }
0x6c: {  	_ =	shalt  }
0x6d: {  	_ =	shalt  }
0x6e: {  	_ =	shalt  }
0x6f: {  	_ =	shalt  }
0x70: {  	_ =	shalt  }
0x71: {  	_ =	shalt  }
0x72: {  	_ =	shalt  }
0x73: {  	_ =	shalt  }
0x74: {  	_ =	shalt  }
0x75: {  	_ =	shalt  }
0x76: {  	_ =	shalt  }
0x77: {  	_ =	shalt  }
0x78: {  	_ =	shalt  }
0x79: {  	_ =	shalt  }
0x7a: {  	_ =	shalt  }
0x7b: {  	_ =	shalt  }
0x7c: {  	_ =	shalt  }
0x7d: {  	_ =	shalt  }
0x7e: {  	_ =	shalt  }
0x7f: {  	_ =	shalt  }
0x80: {  	_ =	shalt  }
0x81: {  	_ =	shalt  }
0x82: {  	_ =	shalt  }
0x83: {  	_ =	shalt  }
0x84: {  	_ =	shalt  }
0x85: {  	_ =	shalt  }
0x86: {  	_ =	shalt  }
0x87: {  	_ =	shalt  }
.Lfunc_end0:
.L_simem_size_0:
called_computation_lowered:
.L_overlay_start_0:
0x88: {  	s2 =	sld [smem:$0x3FD9]  }
0x89: {  	s3 =	sld [smem:$0x3FFE];
	_ =	sdelay $0x1  }
0x8a: {  	s1 =	srdreg.scid  }
0x8b: {  	s0 =	sand.u32 $0x1, s1  }
0x8c: {  	s18 =	sshll.u32 s0, $0xA;
	s2 =	sadd.s32 s3, s2  }
0x8d: {  	s2 =	sadd.s32 s2, s18  }
0x8e: {  	[smem:$0x3FC6] =	sst s2  }
0x8f: {  	_ = 	snop  }
0x90: {  	s2 =	sld [smem:$0x3FC9]  }
0x91: {  	s19 =	sld [smem:$0x3FC8]  }
0x92: {  	s4 =	sld [smem:$0x3FD0];
	(tm) =	ssettm $0x1  }
0x93: {  	s5 =	sld [smem:$0x3FFB];
	_ =	sdelay $0x3  }
0x94: {  	_ =	strace s5  }
0x95: {  	s5 =	sld [smem:$0x3FFC];
	_ =	sdelay $0x3  }
0x96: {  	_ =	strace s5  }
0x97: {  	s5 =	sld [smem:$0x3FFD];
	_ =	sdelay $0x3  }
0x98: {  	_ =	strace s5  }
0x99: {  	_ =	strace $0x8FFFFFFF  }
0x9a: {  	s20 =	sld [smem:$0x3FDB];
	_ =	sdelay $0x1  }
0x9b: {  	s6 =	simm.s32 $_scs_section_size  }
0x9c: {  	s7 =	simm.s32 $_size__tile_overlayer_lowered;
	s8 =	simm.s32 $_tile_overlayer_lowered  }
0x9d: {  	s23 =	simm.s32 $0x1BFF;
	s22 =	sshll.u32 s8, $0x1;
	s5 =	sadd.s32 s6, s20  }
0x9e: {  	s9 =	simm.s32 $0x0;
	s21 =	sshll.u32 s7, $0x1;
	s7 =	sadd.s32 s22, s5  }
0x9f: {  	[timem:s9], [sflag:s23] =	dma.local [hbm:s7], s21  }
0xa0: {  	_ =	swait.ge [sflag:s23], s21  }
0xa1: {  	s6 =	ssub.s32 $0x0, s21;
	[sflag:s23] =	ssyncset.done $0x0  }
0xa2: {  	[sflag:s23] =	ssyncadd.s32 s6;
	_ =	sdelay $0x1  }
0xa3: {  	s24 =	simm.s32 $0x1B8B  }
0xa4: {  	_ =	swait.ge [sflag:s24], $0x1  }
0xa5: {  	[sflag:s24] =	ssyncset.done $0x0  }
0xa6: {  	s25 =	simm.s32 $0x1B8E;
	[sflag:s24] =	ssyncadd.s32 $0xFFFFFFFF  }
0xa7: {  	s26 =	simm.s32 $execute0_lowered;
	[smem:$0x3FD2] =	sst s25  }
0xa8: {  	s6 =	sshll.u32 s26, $0x1;
	_ =	strace $0x80000046;
	[dreg:$0x1] =	wrdreg $0xFFFFFFFF  }
0xa9: {  	s28 =	simm.s32 $_size_execute0_lowered;
	s5 =	sadd.s32 s5, s6;
	[dreg:$0x0] =	wrdreg $0x0  }
0xaa: {  	s6 =	sshll.u32 s28, $0x1;
	[dreg:$0x2] =	wrdreg s5  }
0xab: {  	[dreg:$0x3] =	wrdreg s6  }
0xac: {  	[dreg:$0x4] =	wrdreg $0xC0  }
0xad: {  	_ =	task [dreg:s9], $0x5FFFF  }
0xae: {  	[dreg:$0x1] =	wrdreg $0xFFFFFFFF  }
0xaf: {  	[dreg:$0x0] =	wrdreg $0x60  }
0xb0: {  	[dreg:$0x2] =	wrdreg s2  }
0xb1: {  	[dreg:$0x3] =	wrdreg s19  }
0xb2: {  	[dreg:$0x4] =	wrdreg s4  }
0xb3: {  	[dreg:$0x5] =	wrdreg $0x9  }
0xb4: {  	_ =	task.clear_ibuf [dreg:s9], $0x6FFFF;
	_ =	strace $0x90000046  }
0xb5: {  	s29 =	simm.s32 $0x9;
	_ =	strace $0x80000048  }
0xb6: {  	_ =	swait.ge [sflag:s29], $0x1  }
0xb7: {  	[sflag:s29] =	ssyncadd.s32 $0xFFFFFFFF  }
0xb8: {  	_ =	strace $0x90000048  }
0xb9: {  	_ =	sfence  }
0xba: {  	s30 =	sld [smem:$0x0];
	_ =	sdelay $0x2  }
0xbb: {  	s31 =	sshll.u32 s1, $0xD;
	s1 =	sshrl.u32 s1, $0x2  }
0xbc: {  	s3 =	sand.u32 $0x4000, s31;
	s1 =	sadd.s32 s1, s30  }
0xbd: {  	s0 =	sor.u32 s3, s0;
	s1 =	sshll.u32 s1, $0x11  }
0xbe: {  	s0 =	sor.u32 s1, s0  }
0xbf: {  	s0 =	sadd.s32 $0x8F2B, s0  }
0xc0: {  	[sflag:s0] =	ssyncadd.remote.s32 $0x1  }
0xc1: {  	_ =	sfence.sel $0xFFFF  }
0xc2: {  	[dreg:$0x0] =	wrdreg $0xFFFFFFFF;
	(pc) =	sbr.abs _section_cstart, $3  }
0xc3: {  	[dreg:$0x1] =	wrdreg $0xFFFFFFFF  }
0xc4: {  	_ =	task.clear_ibuf [dreg:s9], $0x2FFFF;
	_ =	strace $0x9FFFFFFF  }
0xc5: {  	(tm) =	ssettm $0x7FFFFFFF  }
tec
execute0_lowered:
.L_overlay_start_1:
0x0: {  	(tag) =	ssettag $0x1  }
0x1: {  	s1 =	rddreg [dreg:$0x0]  }
0x2: {  	s9 =	rddreg [dreg:$0x1]  }
0x3: {  	s10 =	rddreg [dreg:$0x2]  }
0x4: {  	s0 =	rddreg [dreg:$0x3];
	s3 =	simm.s32 $0x0  }
0x5: {  	s4 =	srdreg.scid;
	s2 =	stileid.u32;
	s19 =	simm.s32 $0x2  }
0x6: {  	s20 =	simm.s32 $0x3;
	s21 =	simm.s32 $0x0;
	[smem:$0x7FF] =	sst s3  }
0x7: {  	s4 =	sand.u32 $0x1, s4;
	s5 =	sshll.u32 s2, $0x9;
	s6 =	sshrl.u32 s2, $0x1  }
0x8: {  	s30 =	sadd.s32 $0x1000, s10;
	s15 =	sadd.s32 $0x2000, s10;
	s17 =	sadd.s32 $0x3000, s10  }
0x9: {  	s7 =	sshll.u32 s4, $0x8;
	s5 =	sand.u32 $0x200, s5;
	s8 =	smul.u32 $0xC3800, s6  }
0xa: {  	_ =	strace $0x80000047;
	s4 =	ssub.s32 $0x2, s4;
	s7 =	sor.u32 s7, s5  }
0xb: {  	s11 =	sshll.u32 s6, $0x11;
	s12 =	sshrl.u32 s4, $0x1;
	s5 =	sor.u32 s8, s7  }
0xc: {  	s6 =	sor.u32 s11, s7;
	s14 =	ssub.s32 s4, s12;
	s16 =	sor.u32 $0x80, s7  }
0xd: {  	s5 =	sshrl.u32 s5, $0x3;
	s13 =	sshrl.u32 s6, $0x3;
	s8 =	sor.u32 s8, s16  }
0xe: {  	s11 =	sor.u32 s11, s16;
	s14 =	smax.u32 s14, $0x1;
	s16 =	simm.s32 $0x80  }
0xf: {  	s4 =	sadd.s32 s9, s5;
	s5 =	sadd.s32 s10, s13;
	s6 =	sadd.s32 s13, s30  }
0x10: {  	s7 =	sadd.s32 s13, s15;
	s18 =	sshrl.u32 s8, $0x3;
	s31 =	sshrl.u32 s11, $0x3  }
0x11: {  	s8 =	sadd.s32 s13, s17;
	s9 =	sadd.s32 s9, s18;
	s10 =	sadd.s32 s10, s31  }
0x12: {  	s11 =	sadd.s32 s31, s30;
	s12 =	sadd.s32 s31, s15;
	s13 =	sadd.s32 s31, s17  }
0x13: {  	s15 =	simm.s32 $0x18700;
	s17 =	simm.s32 $0x400;
	s18 =	simm.s32 $0x1  }
.LBB2_1:
0x14: {  	[tilespmem:s15], [sflag:$0x1] =	stream.linear.gather [hbm4b:s1+s3], $0x4000, $0x38;
	[tilespmem:$0x1E700] =	vst v63  }
0x15: {  	_ = 	snop  }
0x16: {  	[tilespmem:s3], [sflag:$0x2] =	stream.strided.gather [hbm4b:s4+s16], $0x18700, s17, s16, $0x38;
	[tilespmem:$0x1E700] =	vst v63  }
0x17: {  	_ =	swait.ge [sflag:s18], $0x4000  }
0x18: {  	[sflag:s18] =	ssyncset.done $0x0  }
0x19: {  	[sflag:s18] =	ssyncadd.s32 $0xFFFFC000  }
0x1a: {  	_ =	swait.ge [sflag:s19], $0x18700  }
0x1b: {  	[sflag:s19] =	ssyncset.done $0x0  }
0x1c: {  	s23 =	simm.s32 $0x18740;
	[sflag:s19] =	ssyncadd.s32 $0xFFFE7900  }
0x1d: {  	v0 =	vld [tilespmem:s23+$0xFFFFFFC0]  }
0x1e: {  	s24 =	simm.s32 $0x400;
	s22 =	simm.s32 $0x0;
	v1 =	vld [tilespmem:s23+$0x30]  }
.LBB2_2:
0x1f: {  	p0 =	sne.s32 s24, $0x7C00;
	v2 =	vld [tilespmem:s23+$0xFFFFFFD0]  }
0x20: {  	v3 =	vld [tilespmem:s23+$0xFFFFFFE0]  }
0x21: {  	v4 =	vld [tilespmem:s23+$0xFFFFFFF0]  }
0x22: {  	v5 =	vld [tilespmem:s23+$0x0]  }
0x23: {  	v6 =	vld [tilespmem:s23+$0x10]  }
0x24: {  	v7 =	vld [tilespmem:s23+$0x20]  }
0x25: {  	v0 =	vld.idx.msk [tilespmem:v0+s3+$0x0], $0xffff  }
0x26: {  	v1 =	vld.idx.msk [tilespmem:v1+s3+$0x0], $0xffff  }
0x27: {  	v2 =	vld.idx.msk [tilespmem:v2+s3+$0x0], $0xffff  }
0x28: {  	v3 =	vld.idx.msk [tilespmem:v3+s3+$0x0], $0xffff  }
0x29: {  	v4 =	vld.idx.msk [tilespmem:v4+s3+$0x0], $0xffff  }
0x2a: {  	v5 =	vld.idx.msk [tilespmem:v5+s3+$0x0], $0xffff  }
0x2b: {  	s25 =	sshra.s32 s22, $0x2;
	s22 =	smov.u32 s24;
	v6 =	vld.idx.msk [tilespmem:v6+s3+$0x0], $0xffff  }
0x2c: {  	v7 =	vld.idx.msk [tilespmem:v7+s3+$0x0], $0xffff;
	[tilespmem:s25+$0x1C770] =	vst v1  }
0x2d: {  	[tilespmem:s25+$0x1C700] =	vst v0  }
0x2e: {  	[tilespmem:s25+$0x1C710] =	vst v2  }
0x2f: {  	[tilespmem:s25+$0x1C720] =	vst v3  }
0x30: {  	[tilespmem:s25+$0x1C730] =	vst v4  }
.Ltmp0:
0x31: {  	[tilespmem:s25+$0x1C740] =	vst v5;
	(pc) =	sbr.rel @p0 .LBB2_2-.Ltmp0, $4  }
0x32: {  	[tilespmem:s25+$0x1C750] =	vst v6  }
0x33: {  	s23 =	sadd.s32 $0x80, s23;
	[tilespmem:s25+$0x1C760] =	vst v7  }
0x34: {  	v0 =	vld [tilespmem:s23+$0xFFFFFFC0]  }
0x35: {  	s24 =	sadd.s32 $0x400, s24;
	v1 =	vld [tilespmem:s23+$0x30]  }
0x36: {  	_ = 	snop  }
0x37: {  	v2 =	vld [tilespmem:s23+$0xFFFFFFD0]  }
0x38: {  	v3 =	vld [tilespmem:s23+$0xFFFFFFE0]  }
0x39: {  	v4 =	vld [tilespmem:s23+$0xFFFFFFF0]  }
0x3a: {  	v5 =	vld [tilespmem:s23+$0x0]  }
0x3b: {  	v6 =	vld [tilespmem:s23+$0x10]  }
0x3c: {  	v7 =	vld [tilespmem:s23+$0x20]  }
0x3d: {  	v0 =	vld.idx.msk [tilespmem:v0+s3+$0x0], $0xffff  }
0x3e: {  	v1 =	vld.idx.msk [tilespmem:v1+s3+$0x0], $0xffff  }
0x3f: {  	v2 =	vld.idx.msk [tilespmem:v2+s3+$0x0], $0xffff  }
0x40: {  	v3 =	vld.idx.msk [tilespmem:v3+s3+$0x0], $0xffff  }
0x41: {  	v4 =	vld.idx.msk [tilespmem:v4+s3+$0x0], $0xffff  }
0x42: {  	v5 =	vld.idx.msk [tilespmem:v5+s3+$0x0], $0xffff  }
0x43: {  	s22 =	sshra.s32 s22, $0x2;
	v6 =	vld.idx.msk [tilespmem:v6+s3+$0x0], $0xffff  }
0x44: {  	v7 =	vld.idx.msk [tilespmem:v7+s3+$0x0], $0xffff;
	[tilespmem:s22+$0x1C700] =	vst v0  }
0x45: {  	[tilespmem:s22+$0x1C770] =	vst v1  }
0x46: {  	[tilespmem:s22+$0x1C710] =	vst v2  }
0x47: {  	[tilespmem:s22+$0x1C720] =	vst v3  }
0x48: {  	[tilespmem:s22+$0x1C730] =	vst v4  }
0x49: {  	[tilespmem:s22+$0x1C740] =	vst v5  }
0x4a: {  	[tilespmem:s22+$0x1C750] =	vst v6  }
0x4b: {  	s23 =	simm.s32 $0x1C700;
	s24 =	simm.s32 $0x0;
	[tilespmem:s22+$0x1C760] =	vst v7;
	s22 =	simm.s32 $0x0  }
.LBB2_4:
0x4c: {  	p0 =	sne.s32 s24, $0xF80  }
.Ltmp1:
0x4d: {  	_ = 	snop;
	(pc) =	sbr.rel @p0 .LBB2_4-.Ltmp1, $4  }
0x4e: {  	_ = 	snop  }
0x4f: {  	s25 =	sadd.s32 s24, s5  }
0x50: {  	[hbm4b:s25+s22] =	stream.linear.scatter [tilespmem:s23], [sflag:$0x3], $0x80, $0x38;
	[tilespmem:$0x1E700] =	vst v63  }
0x51: {  	s24 =	sadd.s32 $0x80, s24;
	s23 =	sadd.s32 $0x100, s23  }
0x52: {  	s22 =	simm.s32 $0x0  }
0x53: {  	v0 =	vld [tilespmem:s22+$0x19700]  }
0x54: {  	v1 =	vld [tilespmem:s22+$0x19770]  }
0x55: {  	v2 =	vld [tilespmem:s22+$0x19710]  }
0x56: {  	v3 =	vld [tilespmem:s22+$0x19720]  }
0x57: {  	v4 =	vld [tilespmem:s22+$0x19730]  }
0x58: {  	v5 =	vld [tilespmem:s22+$0x19740]  }
0x59: {  	v6 =	vld [tilespmem:s22+$0x19750]  }
0x5a: {  	v7 =	vld [tilespmem:s22+$0x19760]  }
0x5b: {  	v0 =	vld.idx.msk [tilespmem:v0+s3+$0x0], $0xffff  }
0x5c: {  	v1 =	vld.idx.msk [tilespmem:v1+s3+$0x0], $0xffff  }
0x5d: {  	v2 =	vld.idx.msk [tilespmem:v2+s3+$0x0], $0xffff  }
0x5e: {  	v3 =	vld.idx.msk [tilespmem:v3+s3+$0x0], $0xffff  }
0x5f: {  	v4 =	vld.idx.msk [tilespmem:v4+s3+$0x0], $0xffff  }
0x60: {  	v5 =	vld.idx.msk [tilespmem:v5+s3+$0x0], $0xffff  }
0x61: {  	s22 =	simm.s32 $0x1C7F0;
	v6 =	vld.idx.msk [tilespmem:v6+s3+$0x0], $0xffff  }
0x62: {  	v7 =	vld.idx.msk [tilespmem:v7+s3+$0x0], $0xffff;
	[tilespmem:s22+$0x0] =	vst v1  }
0x63: {  	[tilespmem:s22+$0xFFFFFF90] =	vst v0  }
0x64: {  	[tilespmem:s22+$0xFFFFFFA0] =	vst v2  }
0x65: {  	[tilespmem:s22+$0xFFFFFFB0] =	vst v3  }
0x66: {  	[tilespmem:s22+$0xFFFFFFC0] =	vst v4  }
0x67: {  	[tilespmem:s22+$0xFFFFFFD0] =	vst v5  }
0x68: {  	[tilespmem:s22+$0xFFFFFFE0] =	vst v6  }
0x69: {  	s24 =	simm.s32 $0x80;
	[tilespmem:s22+$0xFFFFFFF0] =	vst v7  }
0x6a: {  	s23 =	simm.s32 $0x400;
	v0 =	vld [tilespmem:s24+$0x19700]  }
.LBB2_6:
0x6b: {  	p0 =	sne.s32 s23, $0x3E00;
	v1 =	vld [tilespmem:s24+$0x19770]  }
0x6c: {  	v2 =	vld [tilespmem:s24+$0x19710]  }
0x6d: {  	v3 =	vld [tilespmem:s24+$0x19720]  }
0x6e: {  	v4 =	vld [tilespmem:s24+$0x19730]  }
0x6f: {  	v5 =	vld [tilespmem:s24+$0x19740]  }
0x70: {  	v6 =	vld [tilespmem:s24+$0x19750]  }
0x71: {  	v7 =	vld [tilespmem:s24+$0x19760]  }
0x72: {  	v0 =	vld.idx.msk [tilespmem:v0+s3+$0x0], $0xffff  }
0x73: {  	v1 =	vld.idx.msk [tilespmem:v1+s3+$0x0], $0xffff  }
0x74: {  	v2 =	vld.idx.msk [tilespmem:v2+s3+$0x0], $0xffff  }
0x75: {  	v3 =	vld.idx.msk [tilespmem:v3+s3+$0x0], $0xffff  }
0x76: {  	v4 =	vld.idx.msk [tilespmem:v4+s3+$0x0], $0xffff  }
0x77: {  	v5 =	vld.idx.msk [tilespmem:v5+s3+$0x0], $0xffff  }
0x78: {  	s22 =	sadd.s32 $0x100, s22;
	v6 =	vld.idx.msk [tilespmem:v6+s3+$0x0], $0xffff  }
0x79: {  	v7 =	vld.idx.msk [tilespmem:v7+s3+$0x0], $0xffff;
	[tilespmem:s22+$0x0] =	vst v1  }
0x7a: {  	[tilespmem:s22+$0xFFFFFF90] =	vst v0  }
0x7b: {  	[tilespmem:s22+$0xFFFFFFA0] =	vst v2  }
0x7c: {  	[tilespmem:s22+$0xFFFFFFB0] =	vst v3  }
.Ltmp2:
0x7d: {  	[tilespmem:s22+$0xFFFFFFC0] =	vst v4;
	(pc) =	sbr.rel @p0 .LBB2_6-.Ltmp2, $4  }
0x7e: {  	[tilespmem:s22+$0xFFFFFFD0] =	vst v5  }
0x7f: {  	[tilespmem:s22+$0xFFFFFFE0] =	vst v6  }
0x80: {  	s24 =	sshra.s32 s23, $0x2;
	[tilespmem:s22+$0xFFFFFFF0] =	vst v7  }
0x81: {  	s23 =	sadd.s32 $0x200, s23;
	v0 =	vld [tilespmem:s24+$0x19700]  }
0x82: {  	_ = 	snop  }
0x83: {  	v1 =	vld [tilespmem:s24+$0x19770]  }
0x84: {  	v2 =	vld [tilespmem:s24+$0x19710]  }
0x85: {  	v3 =	vld [tilespmem:s24+$0x19720]  }
0x86: {  	v4 =	vld [tilespmem:s24+$0x19730]  }
0x87: {  	v5 =	vld [tilespmem:s24+$0x19740]  }
0x88: {  	v6 =	vld [tilespmem:s24+$0x19750]  }
0x89: {  	v7 =	vld [tilespmem:s24+$0x19760]  }
0x8a: {  	v0 =	vld.idx.msk [tilespmem:v0+s3+$0x0], $0xffff  }
0x8b: {  	v1 =	vld.idx.msk [tilespmem:v1+s3+$0x0], $0xffff  }
0x8c: {  	v2 =	vld.idx.msk [tilespmem:v2+s3+$0x0], $0xffff  }
0x8d: {  	v3 =	vld.idx.msk [tilespmem:v3+s3+$0x0], $0xffff  }
0x8e: {  	v4 =	vld.idx.msk [tilespmem:v4+s3+$0x0], $0xffff  }
0x8f: {  	v5 =	vld.idx.msk [tilespmem:v5+s3+$0x0], $0xffff  }
0x90: {  	s23 =	sadd.s32 $0x100, s22;
	v6 =	vld.idx.msk [tilespmem:v6+s3+$0x0], $0xffff  }
0x91: {  	v7 =	vld.idx.msk [tilespmem:v7+s3+$0x0], $0xffff;
	[tilespmem:s23+$0xFFFFFF90] =	vst v0  }
0x92: {  	[tilespmem:s23+$0x0] =	vst v1  }
0x93: {  	[tilespmem:s23+$0xFFFFFFA0] =	vst v2  }
0x94: {  	[tilespmem:s23+$0xFFFFFFB0] =	vst v3  }
0x95: {  	[tilespmem:s23+$0xFFFFFFC0] =	vst v4  }
0x96: {  	[tilespmem:s23+$0xFFFFFFD0] =	vst v5  }
0x97: {  	s22 =	simm.s32 $0x1C780;
	[tilespmem:s23+$0xFFFFFFE0] =	vst v6  }
0x98: {  	s25 =	sadd.s32 $0x0, s6;
	s24 =	simm.s32 $0x1C880;
	[tilespmem:s23+$0xFFFFFFF0] =	vst v7;
	s23 =	simm.s32 $0x80  }
.LBB2_8:
0x99: {  	[hbm4b:s25+s3] =	stream.linear.scatter [tilespmem:s22], [sflag:$0x3], $0x80, $0x38;
	[tilespmem:$0x1E700] =	vst v63  }
0x9a: {  	s25 =	smov.u32 s23;
	s22 =	smov.u32 s24;
	p0 =	sne.s32 s23, $0xF80  }
.Ltmp3:
0x9b: {  	s23 =	sadd.s32 $0x80, s23;
	(pc) =	sbr.rel @p0 .LBB2_8-.Ltmp3, $2  }
0x9c: {  	_ =	sdelay $0x2  }
0x9d: {  	s24 =	sadd.s32 $0x100, s24;
	s25 =	sadd.s32 s25, s6  }
0x9e: {  	[hbm4b:s25+s3] =	stream.linear.scatter [tilespmem:s22], [sflag:$0x3], $0x80, $0x38;
	[tilespmem:$0x1E700] =	vst v63  }
0x9f: {  	_ =	swait.ge [sflag:s20], $0x1000  }
0xa0: {  	[sflag:s20] =	ssyncset.done $0x0  }
0xa1: {  	s31 =	simm.s32 $0x0;
	[sflag:s20] =	ssyncadd.s32 $0xFFFFF000  }
0xa2: {  	v0 =	vld [tilespmem:s31+$0x1A700]  }
0xa3: {  	v1 =	vld [tilespmem:s31+$0x1A770]  }
0xa4: {  	v2 =	vld [tilespmem:s31+$0x1A710]  }
0xa5: {  	v3 =	vld [tilespmem:s31+$0x1A720]  }
0xa6: {  	v4 =	vld [tilespmem:s31+$0x1A730]  }
0xa7: {  	v5 =	vld [tilespmem:s31+$0x1A740]  }
0xa8: {  	v6 =	vld [tilespmem:s31+$0x1A750]  }
0xa9: {  	v7 =	vld [tilespmem:s31+$0x1A760]  }
0xaa: {  	v0 =	vld.idx.msk [tilespmem:v0+s3+$0x0], $0xffff  }
0xab: {  	v1 =	vld.idx.msk [tilespmem:v1+s3+$0x0], $0xffff  }
0xac: {  	v2 =	vld.idx.msk [tilespmem:v2+s3+$0x0], $0xffff  }
0xad: {  	v3 =	vld.idx.msk [tilespmem:v3+s3+$0x0], $0xffff  }
0xae: {  	v4 =	vld.idx.msk [tilespmem:v4+s3+$0x0], $0xffff  }
0xaf: {  	v5 =	vld.idx.msk [tilespmem:v5+s3+$0x0], $0xffff  }
0xb0: {  	s22 =	simm.s32 $0x1C740;
	v6 =	vld.idx.msk [tilespmem:v6+s3+$0x0], $0xffff  }
0xb1: {  	v7 =	vld.idx.msk [tilespmem:v7+s3+$0x0], $0xffff;
	[tilespmem:s22+$0x30] =	vst v1  }
0xb2: {  	[tilespmem:s22+$0xFFFFFFC0] =	vst v0  }
0xb3: {  	[tilespmem:s22+$0xFFFFFFD0] =	vst v2  }
0xb4: {  	[tilespmem:s22+$0xFFFFFFE0] =	vst v3  }
0xb5: {  	[tilespmem:s22+$0xFFFFFFF0] =	vst v4  }
0xb6: {  	[tilespmem:s22+$0x0] =	vst v5  }
0xb7: {  	[tilespmem:s22+$0x10] =	vst v6  }
0xb8: {  	s24 =	simm.s32 $0x80;
	[tilespmem:s22+$0x20] =	vst v7  }
0xb9: {  	s23 =	simm.s32 $0x400;
	v0 =	vld [tilespmem:s24+$0x1A700]  }
.LBB2_10:
0xba: {  	p0 =	sne.s32 s23, $0x3E00;
	v1 =	vld [tilespmem:s24+$0x1A770]  }
0xbb: {  	v2 =	vld [tilespmem:s24+$0x1A710]  }
0xbc: {  	v3 =	vld [tilespmem:s24+$0x1A720]  }
0xbd: {  	v4 =	vld [tilespmem:s24+$0x1A730]  }
0xbe: {  	v5 =	vld [tilespmem:s24+$0x1A740]  }
0xbf: {  	v6 =	vld [tilespmem:s24+$0x1A750]  }
0xc0: {  	v7 =	vld [tilespmem:s24+$0x1A760]  }
0xc1: {  	v0 =	vld.idx.msk [tilespmem:v0+s3+$0x0], $0xffff  }
0xc2: {  	v1 =	vld.idx.msk [tilespmem:v1+s3+$0x0], $0xffff  }
0xc3: {  	v2 =	vld.idx.msk [tilespmem:v2+s3+$0x0], $0xffff  }
0xc4: {  	v3 =	vld.idx.msk [tilespmem:v3+s3+$0x0], $0xffff  }
0xc5: {  	v4 =	vld.idx.msk [tilespmem:v4+s3+$0x0], $0xffff  }
0xc6: {  	v5 =	vld.idx.msk [tilespmem:v5+s3+$0x0], $0xffff  }
0xc7: {  	s22 =	sadd.s32 $0x100, s22;
	v6 =	vld.idx.msk [tilespmem:v6+s3+$0x0], $0xffff  }
0xc8: {  	v7 =	vld.idx.msk [tilespmem:v7+s3+$0x0], $0xffff;
	[tilespmem:s22+$0x30] =	vst v1  }
0xc9: {  	[tilespmem:s22+$0xFFFFFFC0] =	vst v0  }
0xca: {  	[tilespmem:s22+$0xFFFFFFD0] =	vst v2  }
0xcb: {  	[tilespmem:s22+$0xFFFFFFE0] =	vst v3  }
.Ltmp4:
0xcc: {  	[tilespmem:s22+$0xFFFFFFF0] =	vst v4;
	(pc) =	sbr.rel @p0 .LBB2_10-.Ltmp4, $4  }
0xcd: {  	[tilespmem:s22+$0x0] =	vst v5  }
0xce: {  	[tilespmem:s22+$0x10] =	vst v6  }
0xcf: {  	s24 =	sshra.s32 s23, $0x2;
	[tilespmem:s22+$0x20] =	vst v7  }
0xd0: {  	s23 =	sadd.s32 $0x200, s23;
	v0 =	vld [tilespmem:s24+$0x1A700]  }
0xd1: {  	_ = 	snop  }
0xd2: {  	v1 =	vld [tilespmem:s24+$0x1A770]  }
0xd3: {  	v2 =	vld [tilespmem:s24+$0x1A710]  }
0xd4: {  	v3 =	vld [tilespmem:s24+$0x1A720]  }
0xd5: {  	v4 =	vld [tilespmem:s24+$0x1A730]  }
0xd6: {  	v5 =	vld [tilespmem:s24+$0x1A740]  }
0xd7: {  	v6 =	vld [tilespmem:s24+$0x1A750]  }
0xd8: {  	v7 =	vld [tilespmem:s24+$0x1A760]  }
0xd9: {  	v0 =	vld.idx.msk [tilespmem:v0+s3+$0x0], $0xffff  }
0xda: {  	v1 =	vld.idx.msk [tilespmem:v1+s3+$0x0], $0xffff  }
0xdb: {  	v2 =	vld.idx.msk [tilespmem:v2+s3+$0x0], $0xffff  }
0xdc: {  	v3 =	vld.idx.msk [tilespmem:v3+s3+$0x0], $0xffff  }
0xdd: {  	v4 =	vld.idx.msk [tilespmem:v4+s3+$0x0], $0xffff  }
0xde: {  	v5 =	vld.idx.msk [tilespmem:v5+s3+$0x0], $0xffff  }
0xdf: {  	s23 =	sadd.s32 $0x100, s22;
	v6 =	vld.idx.msk [tilespmem:v6+s3+$0x0], $0xffff  }
0xe0: {  	v7 =	vld.idx.msk [tilespmem:v7+s3+$0x0], $0xffff;
	[tilespmem:s23+$0xFFFFFFC0] =	vst v0  }
0xe1: {  	[tilespmem:s23+$0x30] =	vst v1  }
0xe2: {  	[tilespmem:s23+$0xFFFFFFD0] =	vst v2  }
0xe3: {  	[tilespmem:s23+$0xFFFFFFE0] =	vst v3  }
0xe4: {  	[tilespmem:s23+$0xFFFFFFF0] =	vst v4  }
0xe5: {  	[tilespmem:s23+$0x0] =	vst v5  }
0xe6: {  	s22 =	simm.s32 $0x1C700;
	[tilespmem:s23+$0x10] =	vst v6  }
0xe7: {  	s25 =	sadd.s32 $0x0, s7;
	s24 =	simm.s32 $0x1C800;
	[tilespmem:s23+$0x20] =	vst v7;
	s23 =	simm.s32 $0x80  }
.LBB2_12:
0xe8: {  	[hbm4b:s25+s3] =	stream.linear.scatter [tilespmem:s22], [sflag:$0x3], $0x80, $0x38;
	[tilespmem:$0x1E700] =	vst v63  }
0xe9: {  	s25 =	smov.u32 s23;
	s22 =	smov.u32 s24;
	p0 =	sne.s32 s23, $0xF80  }
.Ltmp5:
0xea: {  	s23 =	sadd.s32 $0x80, s23;
	(pc) =	sbr.rel @p0 .LBB2_12-.Ltmp5, $2  }
0xeb: {  	_ =	sdelay $0x2  }
0xec: {  	s24 =	sadd.s32 $0x100, s24;
	s25 =	sadd.s32 s25, s7  }
0xed: {  	[hbm4b:s25+s3] =	stream.linear.scatter [tilespmem:s22], [sflag:$0x3], $0x80, $0x38;
	[tilespmem:$0x1E700] =	vst v63  }
0xee: {  	_ =	swait.ge [sflag:s20], $0x1000  }
0xef: {  	[sflag:s20] =	ssyncset.done $0x0  }
0xf0: {  	s31 =	simm.s32 $0x0;
	[sflag:s20] =	ssyncadd.s32 $0xFFFFF000  }
0xf1: {  	v0 =	vld [tilespmem:s31+$0x1B700]  }
0xf2: {  	v1 =	vld [tilespmem:s31+$0x1B770]  }
0xf3: {  	v2 =	vld [tilespmem:s31+$0x1B710]  }
0xf4: {  	v3 =	vld [tilespmem:s31+$0x1B720]  }
0xf5: {  	v4 =	vld [tilespmem:s31+$0x1B730]  }
0xf6: {  	v5 =	vld [tilespmem:s31+$0x1B740]  }
0xf7: {  	v6 =	vld [tilespmem:s31+$0x1B750]  }
0xf8: {  	v7 =	vld [tilespmem:s31+$0x1B760]  }
0xf9: {  	v0 =	vld.idx.msk [tilespmem:v0+s3+$0x0], $0xffff  }
0xfa: {  	v1 =	vld.idx.msk [tilespmem:v1+s3+$0x0], $0xffff  }
0xfb: {  	v2 =	vld.idx.msk [tilespmem:v2+s3+$0x0], $0xffff  }
0xfc: {  	v3 =	vld.idx.msk [tilespmem:v3+s3+$0x0], $0xffff  }
0xfd: {  	v4 =	vld.idx.msk [tilespmem:v4+s3+$0x0], $0xffff  }
0xfe: {  	v5 =	vld.idx.msk [tilespmem:v5+s3+$0x0], $0xffff  }
0xff: {  	s22 =	simm.s32 $0x1C7F0;
	v6 =	vld.idx.msk [tilespmem:v6+s3+$0x0], $0xffff  }
0x100: {  	v7 =	vld.idx.msk [tilespmem:v7+s3+$0x0], $0xffff;
	[tilespmem:s22+$0x0] =	vst v1  }
0x101: {  	[tilespmem:s22+$0xFFFFFF90] =	vst v0  }
0x102: {  	[tilespmem:s22+$0xFFFFFFA0] =	vst v2  }
0x103: {  	[tilespmem:s22+$0xFFFFFFB0] =	vst v3  }
0x104: {  	[tilespmem:s22+$0xFFFFFFC0] =	vst v4  }
0x105: {  	[tilespmem:s22+$0xFFFFFFD0] =	vst v5  }
0x106: {  	[tilespmem:s22+$0xFFFFFFE0] =	vst v6  }
0x107: {  	s24 =	simm.s32 $0x80;
	[tilespmem:s22+$0xFFFFFFF0] =	vst v7  }
0x108: {  	s23 =	simm.s32 $0x400;
	v0 =	vld [tilespmem:s24+$0x1B700]  }
.LBB2_14:
0x109: {  	p0 =	sne.s32 s23, $0x3E00;
	v1 =	vld [tilespmem:s24+$0x1B770]  }
0x10a: {  	v2 =	vld [tilespmem:s24+$0x1B710]  }
0x10b: {  	v3 =	vld [tilespmem:s24+$0x1B720]  }
0x10c: {  	v4 =	vld [tilespmem:s24+$0x1B730]  }
0x10d: {  	v5 =	vld [tilespmem:s24+$0x1B740]  }
0x10e: {  	v6 =	vld [tilespmem:s24+$0x1B750]  }
0x10f: {  	v7 =	vld [tilespmem:s24+$0x1B760]  }
0x110: {  	v0 =	vld.idx.msk [tilespmem:v0+s3+$0x0], $0xffff  }
0x111: {  	v1 =	vld.idx.msk [tilespmem:v1+s3+$0x0], $0xffff  }
0x112: {  	v2 =	vld.idx.msk [tilespmem:v2+s3+$0x0], $0xffff  }
0x113: {  	v3 =	vld.idx.msk [tilespmem:v3+s3+$0x0], $0xffff  }
0x114: {  	v4 =	vld.idx.msk [tilespmem:v4+s3+$0x0], $0xffff  }
0x115: {  	v5 =	vld.idx.msk [tilespmem:v5+s3+$0x0], $0xffff  }
0x116: {  	s22 =	sadd.s32 $0x100, s22;
	v6 =	vld.idx.msk [tilespmem:v6+s3+$0x0], $0xffff  }
0x117: {  	v7 =	vld.idx.msk [tilespmem:v7+s3+$0x0], $0xffff;
	[tilespmem:s22+$0x0] =	vst v1  }
0x118: {  	[tilespmem:s22+$0xFFFFFF90] =	vst v0  }
0x119: {  	[tilespmem:s22+$0xFFFFFFA0] =	vst v2  }
0x11a: {  	[tilespmem:s22+$0xFFFFFFB0] =	vst v3  }
.Ltmp6:
0x11b: {  	[tilespmem:s22+$0xFFFFFFC0] =	vst v4;
	(pc) =	sbr.rel @p0 .LBB2_14-.Ltmp6, $4  }
0x11c: {  	[tilespmem:s22+$0xFFFFFFD0] =	vst v5  }
0x11d: {  	[tilespmem:s22+$0xFFFFFFE0] =	vst v6  }
0x11e: {  	s24 =	sshra.s32 s23, $0x2;
	[tilespmem:s22+$0xFFFFFFF0] =	vst v7  }
0x11f: {  	s23 =	sadd.s32 $0x200, s23;
	v0 =	vld [tilespmem:s24+$0x1B700]  }
0x120: {  	_ = 	snop  }
0x121: {  	v1 =	vld [tilespmem:s24+$0x1B770]  }
0x122: {  	v2 =	vld [tilespmem:s24+$0x1B710]  }
0x123: {  	v3 =	vld [tilespmem:s24+$0x1B720]  }
0x124: {  	v4 =	vld [tilespmem:s24+$0x1B730]  }
0x125: {  	v5 =	vld [tilespmem:s24+$0x1B740]  }
0x126: {  	v6 =	vld [tilespmem:s24+$0x1B750]  }
0x127: {  	v7 =	vld [tilespmem:s24+$0x1B760]  }
0x128: {  	v0 =	vld.idx.msk [tilespmem:v0+s3+$0x0], $0xffff  }
0x129: {  	v1 =	vld.idx.msk [tilespmem:v1+s3+$0x0], $0xffff  }
0x12a: {  	v2 =	vld.idx.msk [tilespmem:v2+s3+$0x0], $0xffff  }
0x12b: {  	v3 =	vld.idx.msk [tilespmem:v3+s3+$0x0], $0xffff  }
0x12c: {  	v4 =	vld.idx.msk [tilespmem:v4+s3+$0x0], $0xffff  }
0x12d: {  	v5 =	vld.idx.msk [tilespmem:v5+s3+$0x0], $0xffff  }
0x12e: {  	s23 =	sadd.s32 $0x100, s22;
	v6 =	vld.idx.msk [tilespmem:v6+s3+$0x0], $0xffff  }
0x12f: {  	v7 =	vld.idx.msk [tilespmem:v7+s3+$0x0], $0xffff;
	[tilespmem:s23+$0xFFFFFF90] =	vst v0  }
0x130: {  	[tilespmem:s23+$0x0] =	vst v1  }
0x131: {  	[tilespmem:s23+$0xFFFFFFA0] =	vst v2  }
0x132: {  	[tilespmem:s23+$0xFFFFFFB0] =	vst v3  }
0x133: {  	[tilespmem:s23+$0xFFFFFFC0] =	vst v4  }
0x134: {  	[tilespmem:s23+$0xFFFFFFD0] =	vst v5  }
0x135: {  	s22 =	simm.s32 $0x1C780;
	[tilespmem:s23+$0xFFFFFFE0] =	vst v6  }
0x136: {  	s25 =	sadd.s32 $0x0, s8;
	s24 =	simm.s32 $0x1C880;
	[tilespmem:s23+$0xFFFFFFF0] =	vst v7;
	s23 =	simm.s32 $0x80  }
.LBB2_16:
0x137: {  	[hbm4b:s25+s3] =	stream.linear.scatter [tilespmem:s22], [sflag:$0x3], $0x80, $0x38;
	[tilespmem:$0x1E700] =	vst v63  }
0x138: {  	s25 =	smov.u32 s23;
	s22 =	smov.u32 s24;
	p0 =	sne.s32 s23, $0xF80  }
.Ltmp7:
0x139: {  	s23 =	sadd.s32 $0x80, s23;
	(pc) =	sbr.rel @p0 .LBB2_16-.Ltmp7, $2  }
0x13a: {  	_ =	sdelay $0x2  }
0x13b: {  	s24 =	sadd.s32 $0x100, s24;
	s25 =	sadd.s32 s25, s8  }
0x13c: {  	[hbm4b:s25+s3] =	stream.linear.scatter [tilespmem:s22], [sflag:$0x3], $0x80, $0x38;
	[tilespmem:$0x1E700] =	vst v63  }
0x13d: {  	s22 =	simm.s32 $0x0  }
0x13e: {  	[tilespmem:s22], [sflag:$0x2] =	stream.strided.gather [hbm4b:s9+s16], $0x18700, s17, s16, $0x38;
	[tilespmem:$0x1E700] =	vst v63  }
0x13f: {  	_ =	swait.ge [sflag:s19], $0x18700  }
0x140: {  	[sflag:s19] =	ssyncset.done $0x0  }
0x141: {  	[sflag:s19] =	ssyncadd.s32 $0xFFFE7900  }
0x142: {  	_ =	swait.ge [sflag:s20], $0x1000  }
0x143: {  	[sflag:s20] =	ssyncset.done $0x0  }
0x144: {  	s23 =	simm.s32 $0x18740;
	[sflag:s20] =	ssyncadd.s32 $0xFFFFF000  }
0x145: {  	v0 =	vld [tilespmem:s23+$0xFFFFFFC0]  }
0x146: {  	s24 =	simm.s32 $0x400;
	v1 =	vld [tilespmem:s23+$0x30]  }
.LBB2_18:
0x147: {  	p0 =	seq.s32 s24, $0x7C00;
	v2 =	vld [tilespmem:s23+$0xFFFFFFD0]  }
0x148: {  	v3 =	vld [tilespmem:s23+$0xFFFFFFE0]  }
0x149: {  	v4 =	vld [tilespmem:s23+$0xFFFFFFF0]  }
0x14a: {  	v5 =	vld [tilespmem:s23+$0x0]  }
0x14b: {  	v6 =	vld [tilespmem:s23+$0x10]  }
0x14c: {  	v7 =	vld [tilespmem:s23+$0x20]  }
0x14d: {  	v0 =	vld.idx.msk [tilespmem:v0+s3+$0x0], $0xffff  }
0x14e: {  	v1 =	vld.idx.msk [tilespmem:v1+s3+$0x0], $0xffff  }
0x14f: {  	v2 =	vld.idx.msk [tilespmem:v2+s3+$0x0], $0xffff  }
0x150: {  	v3 =	vld.idx.msk [tilespmem:v3+s3+$0x0], $0xffff  }
0x151: {  	v4 =	vld.idx.msk [tilespmem:v4+s3+$0x0], $0xffff  }
0x152: {  	v5 =	vld.idx.msk [tilespmem:v5+s3+$0x0], $0xffff  }
0x153: {  	s25 =	sshra.s32 s22, $0x2;
	s22 =	smov.u32 s24;
	v6 =	vld.idx.msk [tilespmem:v6+s3+$0x0], $0xffff  }
0x154: {  	v7 =	vld.idx.msk [tilespmem:v7+s3+$0x0], $0xffff;
	[tilespmem:s25+$0x1C770] =	vst v1  }
0x155: {  	[tilespmem:s25+$0x1C700] =	vst v0  }
0x156: {  	[tilespmem:s25+$0x1C710] =	vst v2  }
0x157: {  	[tilespmem:s25+$0x1C720] =	vst v3  }
0x158: {  	[tilespmem:s25+$0x1C730] =	vst v4  }
.Ltmp8:
0x159: {  	[tilespmem:s25+$0x1C740] =	vst v5;
	(pc) =	sbr.rel @!p0 .LBB2_18-.Ltmp8, $4  }
0x15a: {  	[tilespmem:s25+$0x1C750] =	vst v6  }
0x15b: {  	s23 =	sadd.s32 $0x80, s23;
	[tilespmem:s25+$0x1C760] =	vst v7  }
0x15c: {  	v0 =	vld [tilespmem:s23+$0xFFFFFFC0]  }
0x15d: {  	s24 =	sadd.s32 $0x400, s24;
	v1 =	vld [tilespmem:s23+$0x30]  }
0x15e: {  	_ = 	snop  }
0x15f: {  	v2 =	vld [tilespmem:s23+$0xFFFFFFD0]  }
0x160: {  	v3 =	vld [tilespmem:s23+$0xFFFFFFE0]  }
0x161: {  	v4 =	vld [tilespmem:s23+$0xFFFFFFF0]  }
0x162: {  	v5 =	vld [tilespmem:s23+$0x0]  }
0x163: {  	v6 =	vld [tilespmem:s23+$0x10]  }
0x164: {  	v7 =	vld [tilespmem:s23+$0x20]  }
0x165: {  	v0 =	vld.idx.msk [tilespmem:v0+s3+$0x0], $0xffff  }
0x166: {  	v1 =	vld.idx.msk [tilespmem:v1+s3+$0x0], $0xffff  }
0x167: {  	v2 =	vld.idx.msk [tilespmem:v2+s3+$0x0], $0xffff  }
0x168: {  	v3 =	vld.idx.msk [tilespmem:v3+s3+$0x0], $0xffff  }
0x169: {  	v4 =	vld.idx.msk [tilespmem:v4+s3+$0x0], $0xffff  }
0x16a: {  	v5 =	vld.idx.msk [tilespmem:v5+s3+$0x0], $0xffff  }
0x16b: {  	s22 =	sshra.s32 s22, $0x2;
	v6 =	vld.idx.msk [tilespmem:v6+s3+$0x0], $0xffff  }
0x16c: {  	v7 =	vld.idx.msk [tilespmem:v7+s3+$0x0], $0xffff;
	[tilespmem:s22+$0x1C700] =	vst v0  }
0x16d: {  	[tilespmem:s22+$0x1C770] =	vst v1  }
0x16e: {  	[tilespmem:s22+$0x1C710] =	vst v2  }
0x16f: {  	[tilespmem:s22+$0x1C720] =	vst v3  }
0x170: {  	[tilespmem:s22+$0x1C730] =	vst v4  }
0x171: {  	[tilespmem:s22+$0x1C740] =	vst v5  }
0x172: {  	s23 =	simm.s32 $0x80;
	[tilespmem:s22+$0x1C750] =	vst v6  }
0x173: {  	s25 =	sadd.s32 $0x0, s10;
	s24 =	simm.s32 $0x1C800;
	[tilespmem:s22+$0x1C760] =	vst v7;
	s22 =	simm.s32 $0x1C700  }
.LBB2_20:
0x174: {  	[hbm4b:s25+s3] =	stream.linear.scatter [tilespmem:s22], [sflag:$0x3], $0x80, $0x38;
	[tilespmem:$0x1E700] =	vst v63  }
0x175: {  	s25 =	smov.u32 s23;
	s22 =	smov.u32 s24;
	p0 =	sne.s32 s23, $0xF80  }
.Ltmp9:
0x176: {  	s23 =	sadd.s32 $0x80, s23;
	(pc) =	sbr.rel @p0 .LBB2_20-.Ltmp9, $2  }
0x177: {  	_ =	sdelay $0x2  }
0x178: {  	s24 =	sadd.s32 $0x100, s24;
	s25 =	sadd.s32 s25, s10  }
0x179: {  	[hbm4b:s25+s3] =	stream.linear.scatter [tilespmem:s22], [sflag:$0x3], $0x80, $0x38;
	[tilespmem:$0x1E700] =	vst v63  }
0x17a: {  	_ =	swait.ge [sflag:s20], $0x1000  }
0x17b: {  	[sflag:s20] =	ssyncset.done $0x0  }
0x17c: {  	s31 =	simm.s32 $0x0;
	[sflag:s20] =	ssyncadd.s32 $0xFFFFF000  }
0x17d: {  	v0 =	vld [tilespmem:s31+$0x19700]  }
0x17e: {  	v1 =	vld [tilespmem:s31+$0x19770]  }
0x17f: {  	v2 =	vld [tilespmem:s31+$0x19710]  }
0x180: {  	v3 =	vld [tilespmem:s31+$0x19720]  }
0x181: {  	v4 =	vld [tilespmem:s31+$0x19730]  }
0x182: {  	v5 =	vld [tilespmem:s31+$0x19740]  }
0x183: {  	v6 =	vld [tilespmem:s31+$0x19750]  }
0x184: {  	v7 =	vld [tilespmem:s31+$0x19760]  }
0x185: {  	v0 =	vld.idx.msk [tilespmem:v0+s3+$0x0], $0xffff  }
0x186: {  	v1 =	vld.idx.msk [tilespmem:v1+s3+$0x0], $0xffff  }
0x187: {  	v2 =	vld.idx.msk [tilespmem:v2+s3+$0x0], $0xffff  }
0x188: {  	v3 =	vld.idx.msk [tilespmem:v3+s3+$0x0], $0xffff  }
0x189: {  	v4 =	vld.idx.msk [tilespmem:v4+s3+$0x0], $0xffff  }
0x18a: {  	v5 =	vld.idx.msk [tilespmem:v5+s3+$0x0], $0xffff  }
0x18b: {  	s22 =	simm.s32 $0x1C7F0;
	v6 =	vld.idx.msk [tilespmem:v6+s3+$0x0], $0xffff  }
0x18c: {  	v7 =	vld.idx.msk [tilespmem:v7+s3+$0x0], $0xffff;
	[tilespmem:s22+$0x0] =	vst v1  }
0x18d: {  	[tilespmem:s22+$0xFFFFFF90] =	vst v0  }
0x18e: {  	[tilespmem:s22+$0xFFFFFFA0] =	vst v2  }
0x18f: {  	[tilespmem:s22+$0xFFFFFFB0] =	vst v3  }
0x190: {  	[tilespmem:s22+$0xFFFFFFC0] =	vst v4  }
0x191: {  	[tilespmem:s22+$0xFFFFFFD0] =	vst v5  }
0x192: {  	[tilespmem:s22+$0xFFFFFFE0] =	vst v6  }
0x193: {  	s24 =	simm.s32 $0x80;
	[tilespmem:s22+$0xFFFFFFF0] =	vst v7  }
0x194: {  	s23 =	simm.s32 $0x400;
	v0 =	vld [tilespmem:s24+$0x19700]  }
.LBB2_22:
0x195: {  	p0 =	sne.s32 s23, $0x3E00;
	v1 =	vld [tilespmem:s24+$0x19770]  }
0x196: {  	v2 =	vld [tilespmem:s24+$0x19710]  }
0x197: {  	v3 =	vld [tilespmem:s24+$0x19720]  }
0x198: {  	v4 =	vld [tilespmem:s24+$0x19730]  }
0x199: {  	v5 =	vld [tilespmem:s24+$0x19740]  }
0x19a: {  	v6 =	vld [tilespmem:s24+$0x19750]  }
0x19b: {  	v7 =	vld [tilespmem:s24+$0x19760]  }
0x19c: {  	v0 =	vld.idx.msk [tilespmem:v0+s3+$0x0], $0xffff  }
0x19d: {  	v1 =	vld.idx.msk [tilespmem:v1+s3+$0x0], $0xffff  }
0x19e: {  	v2 =	vld.idx.msk [tilespmem:v2+s3+$0x0], $0xffff  }
0x19f: {  	v3 =	vld.idx.msk [tilespmem:v3+s3+$0x0], $0xffff  }
0x1a0: {  	v4 =	vld.idx.msk [tilespmem:v4+s3+$0x0], $0xffff  }
0x1a1: {  	v5 =	vld.idx.msk [tilespmem:v5+s3+$0x0], $0xffff  }
0x1a2: {  	s22 =	sadd.s32 $0x100, s22;
	v6 =	vld.idx.msk [tilespmem:v6+s3+$0x0], $0xffff  }
0x1a3: {  	v7 =	vld.idx.msk [tilespmem:v7+s3+$0x0], $0xffff;
	[tilespmem:s22+$0x0] =	vst v1  }
0x1a4: {  	[tilespmem:s22+$0xFFFFFF90] =	vst v0  }
0x1a5: {  	[tilespmem:s22+$0xFFFFFFA0] =	vst v2  }
0x1a6: {  	[tilespmem:s22+$0xFFFFFFB0] =	vst v3  }
.Ltmp10:
0x1a7: {  	[tilespmem:s22+$0xFFFFFFC0] =	vst v4;
	(pc) =	sbr.rel @p0 .LBB2_22-.Ltmp10, $4  }
0x1a8: {  	[tilespmem:s22+$0xFFFFFFD0] =	vst v5  }
0x1a9: {  	[tilespmem:s22+$0xFFFFFFE0] =	vst v6  }
0x1aa: {  	s24 =	sshra.s32 s23, $0x2;
	[tilespmem:s22+$0xFFFFFFF0] =	vst v7  }
0x1ab: {  	s23 =	sadd.s32 $0x200, s23;
	v0 =	vld [tilespmem:s24+$0x19700]  }
0x1ac: {  	_ = 	snop  }
0x1ad: {  	v1 =	vld [tilespmem:s24+$0x19770]  }
0x1ae: {  	v2 =	vld [tilespmem:s24+$0x19710]  }
0x1af: {  	v3 =	vld [tilespmem:s24+$0x19720]  }
0x1b0: {  	v4 =	vld [tilespmem:s24+$0x19730]  }
0x1b1: {  	v5 =	vld [tilespmem:s24+$0x19740]  }
0x1b2: {  	v6 =	vld [tilespmem:s24+$0x19750]  }
0x1b3: {  	v7 =	vld [tilespmem:s24+$0x19760]  }
0x1b4: {  	v0 =	vld.idx.msk [tilespmem:v0+s3+$0x0], $0xffff  }
0x1b5: {  	v1 =	vld.idx.msk [tilespmem:v1+s3+$0x0], $0xffff  }
0x1b6: {  	v2 =	vld.idx.msk [tilespmem:v2+s3+$0x0], $0xffff  }
0x1b7: {  	v3 =	vld.idx.msk [tilespmem:v3+s3+$0x0], $0xffff  }
0x1b8: {  	v4 =	vld.idx.msk [tilespmem:v4+s3+$0x0], $0xffff  }
0x1b9: {  	v5 =	vld.idx.msk [tilespmem:v5+s3+$0x0], $0xffff  }
0x1ba: {  	s23 =	sadd.s32 $0x100, s22;
	v6 =	vld.idx.msk [tilespmem:v6+s3+$0x0], $0xffff  }
0x1bb: {  	v7 =	vld.idx.msk [tilespmem:v7+s3+$0x0], $0xffff;
	[tilespmem:s23+$0xFFFFFF90] =	vst v0  }
0x1bc: {  	[tilespmem:s23+$0x0] =	vst v1  }
0x1bd: {  	[tilespmem:s23+$0xFFFFFFA0] =	vst v2  }
0x1be: {  	[tilespmem:s23+$0xFFFFFFB0] =	vst v3  }
0x1bf: {  	[tilespmem:s23+$0xFFFFFFC0] =	vst v4  }
0x1c0: {  	[tilespmem:s23+$0xFFFFFFD0] =	vst v5  }
0x1c1: {  	s22 =	simm.s32 $0x1C780;
	[tilespmem:s23+$0xFFFFFFE0] =	vst v6  }
0x1c2: {  	s25 =	sadd.s32 $0x0, s11;
	s24 =	simm.s32 $0x1C880;
	[tilespmem:s23+$0xFFFFFFF0] =	vst v7;
	s23 =	simm.s32 $0x80  }
.LBB2_24:
0x1c3: {  	[hbm4b:s25+s3] =	stream.linear.scatter [tilespmem:s22], [sflag:$0x3], $0x80, $0x38;
	[tilespmem:$0x1E700] =	vst v63  }
0x1c4: {  	s25 =	smov.u32 s23;
	s22 =	smov.u32 s24;
	p0 =	sne.s32 s23, $0xF80  }
.Ltmp11:
0x1c5: {  	s23 =	sadd.s32 $0x80, s23;
	(pc) =	sbr.rel @p0 .LBB2_24-.Ltmp11, $2  }
0x1c6: {  	_ =	sdelay $0x2  }
0x1c7: {  	s24 =	sadd.s32 $0x100, s24;
	s25 =	sadd.s32 s25, s11  }
0x1c8: {  	[hbm4b:s25+s3] =	stream.linear.scatter [tilespmem:s22], [sflag:$0x3], $0x80, $0x38;
	[tilespmem:$0x1E700] =	vst v63  }
0x1c9: {  	_ =	swait.ge [sflag:s20], $0x1000  }
0x1ca: {  	[sflag:s20] =	ssyncset.done $0x0  }
0x1cb: {  	s31 =	simm.s32 $0x0;
	[sflag:s20] =	ssyncadd.s32 $0xFFFFF000  }
0x1cc: {  	v0 =	vld [tilespmem:s31+$0x1A700]  }
0x1cd: {  	v1 =	vld [tilespmem:s31+$0x1A770]  }
0x1ce: {  	v2 =	vld [tilespmem:s31+$0x1A710]  }
0x1cf: {  	v3 =	vld [tilespmem:s31+$0x1A720]  }
0x1d0: {  	v4 =	vld [tilespmem:s31+$0x1A730]  }
0x1d1: {  	v5 =	vld [tilespmem:s31+$0x1A740]  }
0x1d2: {  	v6 =	vld [tilespmem:s31+$0x1A750]  }
0x1d3: {  	v7 =	vld [tilespmem:s31+$0x1A760]  }
0x1d4: {  	v0 =	vld.idx.msk [tilespmem:v0+s3+$0x0], $0xffff  }
0x1d5: {  	v1 =	vld.idx.msk [tilespmem:v1+s3+$0x0], $0xffff  }
0x1d6: {  	v2 =	vld.idx.msk [tilespmem:v2+s3+$0x0], $0xffff  }
0x1d7: {  	v3 =	vld.idx.msk [tilespmem:v3+s3+$0x0], $0xffff  }
0x1d8: {  	v4 =	vld.idx.msk [tilespmem:v4+s3+$0x0], $0xffff  }
0x1d9: {  	v5 =	vld.idx.msk [tilespmem:v5+s3+$0x0], $0xffff  }
0x1da: {  	s22 =	simm.s32 $0x1C740;
	v6 =	vld.idx.msk [tilespmem:v6+s3+$0x0], $0xffff  }
0x1db: {  	v7 =	vld.idx.msk [tilespmem:v7+s3+$0x0], $0xffff;
	[tilespmem:s22+$0x30] =	vst v1  }
0x1dc: {  	[tilespmem:s22+$0xFFFFFFC0] =	vst v0  }
0x1dd: {  	[tilespmem:s22+$0xFFFFFFD0] =	vst v2  }
0x1de: {  	[tilespmem:s22+$0xFFFFFFE0] =	vst v3  }
0x1df: {  	[tilespmem:s22+$0xFFFFFFF0] =	vst v4  }
0x1e0: {  	[tilespmem:s22+$0x0] =	vst v5  }
0x1e1: {  	[tilespmem:s22+$0x10] =	vst v6  }
0x1e2: {  	s24 =	simm.s32 $0x80;
	[tilespmem:s22+$0x20] =	vst v7  }
0x1e3: {  	s23 =	simm.s32 $0x400;
	v0 =	vld [tilespmem:s24+$0x1A700]  }
.LBB2_26:
0x1e4: {  	p0 =	sne.s32 s23, $0x3E00;
	v1 =	vld [tilespmem:s24+$0x1A770]  }
0x1e5: {  	v2 =	vld [tilespmem:s24+$0x1A710]  }
0x1e6: {  	v3 =	vld [tilespmem:s24+$0x1A720]  }
0x1e7: {  	v4 =	vld [tilespmem:s24+$0x1A730]  }
0x1e8: {  	v5 =	vld [tilespmem:s24+$0x1A740]  }
0x1e9: {  	v6 =	vld [tilespmem:s24+$0x1A750]  }
0x1ea: {  	v7 =	vld [tilespmem:s24+$0x1A760]  }
0x1eb: {  	v0 =	vld.idx.msk [tilespmem:v0+s3+$0x0], $0xffff  }
0x1ec: {  	v1 =	vld.idx.msk [tilespmem:v1+s3+$0x0], $0xffff  }
0x1ed: {  	v2 =	vld.idx.msk [tilespmem:v2+s3+$0x0], $0xffff  }
0x1ee: {  	v3 =	vld.idx.msk [tilespmem:v3+s3+$0x0], $0xffff  }
0x1ef: {  	v4 =	vld.idx.msk [tilespmem:v4+s3+$0x0], $0xffff  }
0x1f0: {  	v5 =	vld.idx.msk [tilespmem:v5+s3+$0x0], $0xffff  }
0x1f1: {  	s22 =	sadd.s32 $0x100, s22;
	v6 =	vld.idx.msk [tilespmem:v6+s3+$0x0], $0xffff  }
0x1f2: {  	v7 =	vld.idx.msk [tilespmem:v7+s3+$0x0], $0xffff;
	[tilespmem:s22+$0x30] =	vst v1  }
0x1f3: {  	[tilespmem:s22+$0xFFFFFFC0] =	vst v0  }
0x1f4: {  	[tilespmem:s22+$0xFFFFFFD0] =	vst v2  }
0x1f5: {  	[tilespmem:s22+$0xFFFFFFE0] =	vst v3  }
.Ltmp12:
0x1f6: {  	[tilespmem:s22+$0xFFFFFFF0] =	vst v4;
	(pc) =	sbr.rel @p0 .LBB2_26-.Ltmp12, $4  }
0x1f7: {  	[tilespmem:s22+$0x0] =	vst v5  }
0x1f8: {  	[tilespmem:s22+$0x10] =	vst v6  }
0x1f9: {  	s24 =	sshra.s32 s23, $0x2;
	[tilespmem:s22+$0x20] =	vst v7  }
0x1fa: {  	s23 =	sadd.s32 $0x200, s23;
	v0 =	vld [tilespmem:s24+$0x1A700]  }
0x1fb: {  	_ = 	snop  }
0x1fc: {  	v1 =	vld [tilespmem:s24+$0x1A770]  }
0x1fd: {  	v2 =	vld [tilespmem:s24+$0x1A710]  }
0x1fe: {  	v3 =	vld [tilespmem:s24+$0x1A720]  }
0x1ff: {  	v4 =	vld [tilespmem:s24+$0x1A730]  }
0x200: {  	v5 =	vld [tilespmem:s24+$0x1A740]  }
0x201: {  	v6 =	vld [tilespmem:s24+$0x1A750]  }
0x202: {  	v7 =	vld [tilespmem:s24+$0x1A760]  }
0x203: {  	v0 =	vld.idx.msk [tilespmem:v0+s3+$0x0], $0xffff  }
0x204: {  	v1 =	vld.idx.msk [tilespmem:v1+s3+$0x0], $0xffff  }
0x205: {  	v2 =	vld.idx.msk [tilespmem:v2+s3+$0x0], $0xffff  }
0x206: {  	v3 =	vld.idx.msk [tilespmem:v3+s3+$0x0], $0xffff  }
0x207: {  	v4 =	vld.idx.msk [tilespmem:v4+s3+$0x0], $0xffff  }
0x208: {  	v5 =	vld.idx.msk [tilespmem:v5+s3+$0x0], $0xffff  }
0x209: {  	s23 =	sadd.s32 $0x100, s22;
	v6 =	vld.idx.msk [tilespmem:v6+s3+$0x0], $0xffff  }
0x20a: {  	v7 =	vld.idx.msk [tilespmem:v7+s3+$0x0], $0xffff;
	[tilespmem:s23+$0xFFFFFFC0] =	vst v0  }
0x20b: {  	[tilespmem:s23+$0x30] =	vst v1  }
0x20c: {  	[tilespmem:s23+$0xFFFFFFD0] =	vst v2  }
0x20d: {  	[tilespmem:s23+$0xFFFFFFE0] =	vst v3  }
0x20e: {  	[tilespmem:s23+$0xFFFFFFF0] =	vst v4  }
0x20f: {  	[tilespmem:s23+$0x0] =	vst v5  }
0x210: {  	s22 =	simm.s32 $0x1C700;
	[tilespmem:s23+$0x10] =	vst v6  }
0x211: {  	s25 =	sadd.s32 $0x0, s12;
	s24 =	simm.s32 $0x1C800;
	[tilespmem:s23+$0x20] =	vst v7;
	s23 =	simm.s32 $0x80  }
.LBB2_28:
0x212: {  	[hbm4b:s25+s3] =	stream.linear.scatter [tilespmem:s22], [sflag:$0x3], $0x80, $0x38;
	[tilespmem:$0x1E700] =	vst v63  }
0x213: {  	s25 =	smov.u32 s23;
	s22 =	smov.u32 s24;
	p0 =	sne.s32 s23, $0xF80  }
.Ltmp13:
0x214: {  	s23 =	sadd.s32 $0x80, s23;
	(pc) =	sbr.rel @p0 .LBB2_28-.Ltmp13, $2  }
0x215: {  	_ =	sdelay $0x2  }
0x216: {  	s24 =	sadd.s32 $0x100, s24;
	s25 =	sadd.s32 s25, s12  }
0x217: {  	[hbm4b:s25+s3] =	stream.linear.scatter [tilespmem:s22], [sflag:$0x3], $0x80, $0x38;
	[tilespmem:$0x1E700] =	vst v63  }
0x218: {  	_ =	swait.ge [sflag:s20], $0x1000  }
0x219: {  	[sflag:s20] =	ssyncset.done $0x0  }
0x21a: {  	s31 =	simm.s32 $0x0;
	[sflag:s20] =	ssyncadd.s32 $0xFFFFF000  }
0x21b: {  	v0 =	vld [tilespmem:s31+$0x1B700]  }
0x21c: {  	v1 =	vld [tilespmem:s31+$0x1B770]  }
0x21d: {  	v2 =	vld [tilespmem:s31+$0x1B710]  }
0x21e: {  	v3 =	vld [tilespmem:s31+$0x1B720]  }
0x21f: {  	v4 =	vld [tilespmem:s31+$0x1B730]  }
0x220: {  	v5 =	vld [tilespmem:s31+$0x1B740]  }
0x221: {  	v6 =	vld [tilespmem:s31+$0x1B750]  }
0x222: {  	v7 =	vld [tilespmem:s31+$0x1B760]  }
0x223: {  	v0 =	vld.idx.msk [tilespmem:v0+s3+$0x0], $0xffff  }
0x224: {  	v1 =	vld.idx.msk [tilespmem:v1+s3+$0x0], $0xffff  }
0x225: {  	v2 =	vld.idx.msk [tilespmem:v2+s3+$0x0], $0xffff  }
0x226: {  	v3 =	vld.idx.msk [tilespmem:v3+s3+$0x0], $0xffff  }
0x227: {  	v4 =	vld.idx.msk [tilespmem:v4+s3+$0x0], $0xffff  }
0x228: {  	v5 =	vld.idx.msk [tilespmem:v5+s3+$0x0], $0xffff  }
0x229: {  	s22 =	simm.s32 $0x1C7F0;
	v6 =	vld.idx.msk [tilespmem:v6+s3+$0x0], $0xffff  }
0x22a: {  	v7 =	vld.idx.msk [tilespmem:v7+s3+$0x0], $0xffff;
	[tilespmem:s22+$0x0] =	vst v1  }
0x22b: {  	[tilespmem:s22+$0xFFFFFF90] =	vst v0  }
0x22c: {  	[tilespmem:s22+$0xFFFFFFA0] =	vst v2  }
0x22d: {  	[tilespmem:s22+$0xFFFFFFB0] =	vst v3  }
0x22e: {  	[tilespmem:s22+$0xFFFFFFC0] =	vst v4  }
0x22f: {  	[tilespmem:s22+$0xFFFFFFD0] =	vst v5  }
0x230: {  	[tilespmem:s22+$0xFFFFFFE0] =	vst v6  }
0x231: {  	s24 =	simm.s32 $0x80;
	[tilespmem:s22+$0xFFFFFFF0] =	vst v7  }
0x232: {  	s23 =	simm.s32 $0x400;
	v0 =	vld [tilespmem:s24+$0x1B700]  }
.LBB2_30:
0x233: {  	p0 =	sne.s32 s23, $0x3E00;
	v1 =	vld [tilespmem:s24+$0x1B770]  }
0x234: {  	v2 =	vld [tilespmem:s24+$0x1B710]  }
0x235: {  	v3 =	vld [tilespmem:s24+$0x1B720]  }
0x236: {  	v4 =	vld [tilespmem:s24+$0x1B730]  }
0x237: {  	v5 =	vld [tilespmem:s24+$0x1B740]  }
0x238: {  	v6 =	vld [tilespmem:s24+$0x1B750]  }
0x239: {  	v7 =	vld [tilespmem:s24+$0x1B760]  }
0x23a: {  	v0 =	vld.idx.msk [tilespmem:v0+s3+$0x0], $0xffff  }
0x23b: {  	v1 =	vld.idx.msk [tilespmem:v1+s3+$0x0], $0xffff  }
0x23c: {  	v2 =	vld.idx.msk [tilespmem:v2+s3+$0x0], $0xffff  }
0x23d: {  	v3 =	vld.idx.msk [tilespmem:v3+s3+$0x0], $0xffff  }
0x23e: {  	v4 =	vld.idx.msk [tilespmem:v4+s3+$0x0], $0xffff  }
0x23f: {  	v5 =	vld.idx.msk [tilespmem:v5+s3+$0x0], $0xffff  }
0x240: {  	s22 =	sadd.s32 $0x100, s22;
	v6 =	vld.idx.msk [tilespmem:v6+s3+$0x0], $0xffff  }
0x241: {  	v7 =	vld.idx.msk [tilespmem:v7+s3+$0x0], $0xffff;
	[tilespmem:s22+$0x0] =	vst v1  }
0x242: {  	[tilespmem:s22+$0xFFFFFF90] =	vst v0  }
0x243: {  	[tilespmem:s22+$0xFFFFFFA0] =	vst v2  }
0x244: {  	[tilespmem:s22+$0xFFFFFFB0] =	vst v3  }
.Ltmp14:
0x245: {  	[tilespmem:s22+$0xFFFFFFC0] =	vst v4;
	(pc) =	sbr.rel @p0 .LBB2_30-.Ltmp14, $4  }
0x246: {  	[tilespmem:s22+$0xFFFFFFD0] =	vst v5  }
0x247: {  	[tilespmem:s22+$0xFFFFFFE0] =	vst v6  }
0x248: {  	s24 =	sshra.s32 s23, $0x2;
	[tilespmem:s22+$0xFFFFFFF0] =	vst v7  }
0x249: {  	s23 =	sadd.s32 $0x200, s23;
	v0 =	vld [tilespmem:s24+$0x1B700]  }
0x24a: {  	_ = 	snop  }
0x24b: {  	v1 =	vld [tilespmem:s24+$0x1B770]  }
0x24c: {  	v2 =	vld [tilespmem:s24+$0x1B710]  }
0x24d: {  	v3 =	vld [tilespmem:s24+$0x1B720]  }
0x24e: {  	v4 =	vld [tilespmem:s24+$0x1B730]  }
0x24f: {  	v5 =	vld [tilespmem:s24+$0x1B740]  }
0x250: {  	v6 =	vld [tilespmem:s24+$0x1B750]  }
0x251: {  	v7 =	vld [tilespmem:s24+$0x1B760]  }
0x252: {  	v0 =	vld.idx.msk [tilespmem:v0+s3+$0x0], $0xffff  }
0x253: {  	v1 =	vld.idx.msk [tilespmem:v1+s3+$0x0], $0xffff  }
0x254: {  	v2 =	vld.idx.msk [tilespmem:v2+s3+$0x0], $0xffff  }
0x255: {  	v3 =	vld.idx.msk [tilespmem:v3+s3+$0x0], $0xffff  }
0x256: {  	v4 =	vld.idx.msk [tilespmem:v4+s3+$0x0], $0xffff  }
0x257: {  	v5 =	vld.idx.msk [tilespmem:v5+s3+$0x0], $0xffff  }
0x258: {  	s23 =	sadd.s32 $0x100, s22;
	v6 =	vld.idx.msk [tilespmem:v6+s3+$0x0], $0xffff  }
0x259: {  	v7 =	vld.idx.msk [tilespmem:v7+s3+$0x0], $0xffff;
	[tilespmem:s23+$0xFFFFFF90] =	vst v0  }
0x25a: {  	[tilespmem:s23+$0x0] =	vst v1  }
0x25b: {  	[tilespmem:s23+$0xFFFFFFA0] =	vst v2  }
0x25c: {  	[tilespmem:s23+$0xFFFFFFB0] =	vst v3  }
0x25d: {  	[tilespmem:s23+$0xFFFFFFC0] =	vst v4  }
0x25e: {  	[tilespmem:s23+$0xFFFFFFD0] =	vst v5  }
0x25f: {  	s22 =	simm.s32 $0x1C780;
	[tilespmem:s23+$0xFFFFFFE0] =	vst v6  }
0x260: {  	s25 =	sadd.s32 $0x0, s13;
	s24 =	simm.s32 $0x1C880;
	[tilespmem:s23+$0xFFFFFFF0] =	vst v7;
	s23 =	simm.s32 $0x80  }
.LBB2_32:
0x261: {  	[hbm4b:s25+s3] =	stream.linear.scatter [tilespmem:s22], [sflag:$0x3], $0x80, $0x38;
	[tilespmem:$0x1E700] =	vst v63  }
0x262: {  	s25 =	smov.u32 s23;
	s22 =	smov.u32 s24;
	p0 =	sne.s32 s23, $0xF80  }
.Ltmp15:
0x263: {  	s23 =	sadd.s32 $0x80, s23;
	(pc) =	sbr.rel @p0 .LBB2_32-.Ltmp15, $2  }
0x264: {  	_ =	sdelay $0x2  }
0x265: {  	s24 =	sadd.s32 $0x100, s24;
	s25 =	sadd.s32 s25, s13  }
0x266: {  	[hbm4b:s25+s3] =	stream.linear.scatter [tilespmem:s22], [sflag:$0x3], $0x80, $0x38;
	[tilespmem:$0x1E700] =	vst v63  }
0x267: {  	s21 =	sadd.s32 $0x1, s21  }
0x268: {  	_ =	swait.ge [sflag:s20], $0x1000;
	p0 =	sne.s32 s21, s14  }
.Ltmp16:
0x269: {  	[sflag:s20] =	ssyncset.done $0x0;
	(pc) =	sbr.rel @p0 .LBB2_1-.Ltmp16, $4  }
0x26a: {  	[sflag:s20] =	ssyncadd.s32 $0xFFFFF000  }
0x26b: {  	_ =	swait.ge [sflag:s20], $0x1000  }
0x26c: {  	[sflag:s20] =	ssyncset.done $0x0  }
0x26d: {  	[sflag:s20] =	ssyncadd.s32 $0xFFFFF000  }
0x26e: {  	_ =	sfence.sel $0x180000  }
0x26f: {  	[bflag:$0x0] =	sbarrier.arrive $0xFFFF  }
0x270: {  	p0 =	sne.s32 s2, $0x0;
	_ =	strace $0x90000047  }
0x271: {  	s0 =	sadd.s32 @!p0 $0x100000, s0;
	[bflag:$0x2] =	sbarrier.arrive $0xFFFF  }
0x272: {  	[sflag:s0] =	ssyncadd.tile.s32 @!p0 $0x1;
	_ =	shalt  }
.Lfunc_end2:
_tile_overlayer_lowered:
.L_overlay_start_2:
0x273: {  	(tag) =	ssettag $0x2  }
0x274: {  	s0 =	rddreg [dreg:$0x0];
	s2 =	stileid.u32  }
0x275: {  	s1 =	rddreg [dreg:$0x1];
	p0 =	sne.s32 s2, $0x0  }
0x276: {  	s3 =	rddreg [dreg:$0x2];
	[bflag:$0x3] =	sbarrier.arrive $0xFFFF;
	s2 =	simm.s32 @!p0 $0x1C04  }
0x277: {  	[timem:s3], [sflag:s2] =	dma.local @!p0 [hbm:s0], s1  }
0x278: {  	s0 =	simm.s32 @!p0 $0x4  }
0x279: {  	_ =	swait.ge @!p0 [sflag:s0], s1  }
0x27a: {  	s1 =	ssub.s32 @!p0 $0x0, s1;
	[sflag:s0] =	ssyncset.done @!p0 $0x0  }
0x27b: {  	[sflag:s0] =	ssyncadd.s32 @!p0 s1  }
0x27c: {  	[bflag:$0x3] =	sbarrier.arrive $0xFFFF  }
0x27d: {  	_ =	shalt  }

</sc_bundles>
